<compile_context>
chip_gen: v7x
topology: tpu7x:2x2x1
jax: 0.10.2.dev20260603
libtpu: 0.0.44.dev20260713+nightly
codegen_flags: <defaults>
</compile_context>

<pallas_src>
import functools

import jax
import jax.numpy as jnp
from jax import lax
from jax.experimental import pallas as pl
from jax.experimental.pallas import tpu as pltpu
from jax.experimental.pallas import tpu_sc as plsc

N_NODES = 10000
IN_CH = 256
HID = 256
OUT = 128
N_EDGES = 160000

NC, NS, L = 2, 16, 16
NW = NC * NS

NPAD = 10240
RPT = NPAD // NS
EPAD = 163840
CHUNK = 128
EPT = EPAD // NS
EPW = EPAD // NW
NCHUNK = EPT // CHUNK

RBLK = 1024
GROWS = NPAD // RBLK

_mesh = plsc.VectorSubcoreMesh(core_axis_name="c", subcore_axis_name="s")


@functools.partial(
    pl.kernel,
    out_type=jax.ShapeDtypeStruct((NC, NPAD), jnp.float32),
    mesh=_mesh,
    compiler_params=pltpu.CompilerParams(needs_layout_passes=False),
    scratch_types=[
        pltpu.VMEM((EPW,), jnp.int32),
        pltpu.VMEM((NPAD,), jnp.float32),
        pltpu.VMEM((NS, RPT), jnp.float32),
        pltpu.VMEM((RPT,), jnp.float32),
        pltpu.VMEM_SHARED((NS, NPAD), jnp.float32),
    ],
)
def _deg_kernel(dst_hbm, out_hbm, dbuf, hist, red2, red, sh):
    c = lax.axis_index("c")
    s = lax.axis_index("s")
    g = c * NS + s

    def zero(i, _):
        hist[pl.ds(i * L, L)] = jnp.zeros((L,), jnp.float32)
        return 0

    lax.fori_loop(0, NPAD // L, zero, 0)

    pltpu.sync_copy(dst_hbm.at[pl.ds(g * EPW, EPW)], dbuf)
    ones = jnp.ones((L,), jnp.float32)

    def scat(i, _):
        idx = dbuf[pl.ds(i * L, L)]
        plsc.addupdate_scatter(hist, [idx], ones)
        return 0

    lax.fori_loop(0, EPW // L, scat, 0)

    pltpu.sync_copy(hist, sh.at[s])
    plsc.subcore_barrier()

    base = s * RPT
    pltpu.sync_copy(sh.at[:, pl.ds(base, RPT)], red2)

    def reduce(i, _):
        a = red2[0, pl.ds(i * L, L)]
        for t in range(1, NS):
            a = a + red2[t, pl.ds(i * L, L)]
        red[pl.ds(i * L, L)] = a
        return 0

    lax.fori_loop(0, RPT // L, reduce, 0)
    pltpu.sync_copy(red, out_hbm.at[c, pl.ds(base, RPT)])


@functools.partial(
    pl.kernel,
    out_type=jax.ShapeDtypeStruct((NC * NPAD, OUT), jnp.float32),
    mesh=_mesh,
    scratch_types=(
        [pltpu.VMEM((CHUNK,), jnp.int32)] * 2
        + [pltpu.VMEM((CHUNK,), jnp.int32)] * 2
        + [pltpu.VMEM((CHUNK,), jnp.int32)] * 2
        + [pltpu.VMEM((CHUNK, OUT), jnp.float32)] * 2
        + [pltpu.VMEM_SHARED((NPAD, OUT), jnp.float32)]
        + [pltpu.SemaphoreType.DMA] * 5
    ),
)
def _spmm_kernel(hs_hbm, src2_hbm, dst_hbm, z_hbm, out_hbm, *refs):
    isrc = refs[0:2]
    idst = refs[2:4]
    sdst = refs[4:6]
    rows = refs[6:8]
    acc, sem = refs[8], refs[9]
    isem = refs[10:12]
    ssem = refs[12:14]

    c = lax.axis_index("c")
    s = lax.axis_index("s")
    base = s * RPT
    pltpu.sync_copy(z_hbm.at[pl.ds(base, RPT), :], acc.at[pl.ds(base, RPT), :])
    plsc.subcore_barrier()

    e0 = s * EPT

    def fire_idx(j, b):
        off = e0 + j * CHUNK
        pltpu.async_copy(src2_hbm.at[c, pl.ds(off, CHUNK)], isrc[b], isem[b])
        pltpu.async_copy(dst_hbm.at[pl.ds(off, CHUNK)], idst[b], isem[b])

    for b in range(2):
        fire_idx(b, b)

    def step(g, _):
        for b in range(2):
            j = 2 * g + b
            pltpu.make_async_copy(src2_hbm.at[c, pl.ds(0, CHUNK)],
                                  isrc[b], isem[b]).wait()
            pltpu.make_async_copy(dst_hbm.at[pl.ds(0, CHUNK)],
                                  idst[b], isem[b]).wait()

            @pl.when(g > 0)
            def _drain():
                pltpu.make_async_copy(z_hbm.at[pl.ds(0, CHUNK), :],
                                      rows[b], ssem[b]).wait()

            for k in range(CHUNK // L):
                sdst[b][pl.ds(k * L, L)] = idst[b][pl.ds(k * L, L)]
            pltpu.async_copy(hs_hbm.at[isrc[b]], rows[b], sem).wait()

            @pl.when(j + 2 < NCHUNK)
            def _prefetch():
                fire_idx(j + 2, b)

            pltpu.async_copy(rows[b], acc.at[sdst[b]], ssem[b], add=True)
        return 0

    lax.fori_loop(0, NCHUNK // 2, step, 0)
    for b in range(2):
        pltpu.make_async_copy(z_hbm.at[pl.ds(0, CHUNK), :],
                              rows[b], ssem[b]).wait()
    plsc.subcore_barrier()
    pltpu.sync_copy(acc.at[pl.ds(base, RPT), :],
                    out_hbm.at[pl.ds(c * NPAD + base, RPT), :])


def _dis(d0_ref, d1_ref):
    deg = d0_ref[0, 0, :] + d1_ref[0, 0, :] + 1.0
    return lax.rsqrt(deg)


def _stage1_body(x_ref, w_ref, d0_ref, d1_ref, o_ref):
    dis = _dis(d0_ref, d1_ref)
    h = jnp.dot(x_ref[...], w_ref[...], preferred_element_type=jnp.float32)
    o_ref[...] = h * dis[:, None]


_stage1 = pl.pallas_call(
    _stage1_body,
    grid=(NC, GROWS),
    in_specs=[
        pl.BlockSpec((RBLK, IN_CH), lambda c, j: (j, 0)),
        pl.BlockSpec((IN_CH, OUT), lambda c, j: (0, c)),
        pl.BlockSpec((1, 1, RBLK), lambda c, j: (j, 0, 0)),
        pl.BlockSpec((1, 1, RBLK), lambda c, j: (j, 0, 0)),
    ],
    out_specs=pl.BlockSpec((RBLK, OUT), lambda c, j: (c * GROWS + j, 0)),
    out_shape=jax.ShapeDtypeStruct((NC * NPAD, OUT), jnp.float32),
)


def _stage2_body(a0_ref, a1_ref, h0_ref, h1_ref, d0_ref, d1_ref, b_ref,
                 w_ref, o_ref):
    dis = _dis(d0_ref, d1_ref)
    pre0 = (a0_ref[...] + h0_ref[...]) * dis[:, None]
    pre1 = (a1_ref[...] + h1_ref[...]) * dis[:, None]
    h = jnp.concatenate([pre0, pre1], axis=1) + b_ref[0, :][None, :]
    h = jnp.maximum(h, 0.0)
    hc = jnp.dot(h, w_ref[...], preferred_element_type=jnp.float32)
    o_ref[...] = hc * dis[:, None]


_stage2 = pl.pallas_call(
    _stage2_body,
    grid=(NC, GROWS),
    in_specs=[
        pl.BlockSpec((RBLK, OUT), lambda c, j: (j, 0)),
        pl.BlockSpec((RBLK, OUT), lambda c, j: (GROWS + j, 0)),
        pl.BlockSpec((RBLK, OUT), lambda c, j: (j, 0)),
        pl.BlockSpec((RBLK, OUT), lambda c, j: (GROWS + j, 0)),
        pl.BlockSpec((1, 1, RBLK), lambda c, j: (j, 0, 0)),
        pl.BlockSpec((1, 1, RBLK), lambda c, j: (j, 0, 0)),
        pl.BlockSpec((1, HID), lambda c, j: (0, 0)),
        pl.BlockSpec((HID, OUT), lambda c, j: (0, c)),
    ],
    out_specs=pl.BlockSpec((RBLK, OUT), lambda c, j: (c * GROWS + j, 0)),
    out_shape=jax.ShapeDtypeStruct((NC * NPAD, OUT), jnp.float32),
)


def _stage3_body(a0_ref, a1_ref, h0_ref, h1_ref, d0_ref, d1_ref,
                 bmu_ref, bls_ref, mu_ref, ls_ref):
    dis = _dis(d0_ref, d1_ref)
    mu_ref[...] = (a0_ref[...] + h0_ref[...]) * dis[:, None] + bmu_ref[0, :][None, :]
    ls_ref[...] = (a1_ref[...] + h1_ref[...]) * dis[:, None] + bls_ref[0, :][None, :]


_stage3 = pl.pallas_call(
    _stage3_body,
    grid=(GROWS,),
    in_specs=[
        pl.BlockSpec((RBLK, OUT), lambda j: (j, 0)),
        pl.BlockSpec((RBLK, OUT), lambda j: (GROWS + j, 0)),
        pl.BlockSpec((RBLK, OUT), lambda j: (j, 0)),
        pl.BlockSpec((RBLK, OUT), lambda j: (GROWS + j, 0)),
        pl.BlockSpec((1, 1, RBLK), lambda j: (j, 0, 0)),
        pl.BlockSpec((1, 1, RBLK), lambda j: (j, 0, 0)),
        pl.BlockSpec((1, OUT), lambda j: (0, 0)),
        pl.BlockSpec((1, OUT), lambda j: (0, 0)),
    ],
    out_specs=[
        pl.BlockSpec((RBLK, OUT), lambda j: (j, 0)),
        pl.BlockSpec((RBLK, OUT), lambda j: (j, 0)),
    ],
    out_shape=[
        jax.ShapeDtypeStruct((NPAD, OUT), jnp.float32),
        jax.ShapeDtypeStruct((NPAD, OUT), jnp.float32),
    ],
)


def kernel(x, edge_index, W1, b1, Wmu, bmu, Wls, bls):
    src = edge_index[0].astype(jnp.int32)
    dst = edge_index[1].astype(jnp.int32)
    pad = EPAD - N_EDGES
    srcp = jnp.concatenate([src, jnp.zeros((pad,), jnp.int32)])
    dstp = jnp.concatenate([dst, jnp.full((pad,), N_NODES, jnp.int32)])
    src2 = jnp.stack([srcp, srcp + NPAD])
    xp = jnp.pad(x, ((0, NPAD - N_NODES), (0, 0)))
    z = jnp.zeros((NPAD, OUT), jnp.float32)
    Wcat = jnp.concatenate([Wmu, Wls], axis=1)

    degp = _deg_kernel(dstp)
    d0 = degp[0].reshape(GROWS, 1, RBLK)
    d1 = degp[1].reshape(GROWS, 1, RBLK)

    hs1 = _stage1(xp, W1, d0, d1)
    agg1 = _spmm_kernel(hs1, src2, dstp, z)
    hs2 = _stage2(agg1, agg1, hs1, hs1, d0, d1, b1.reshape(1, HID), Wcat)
    agg2 = _spmm_kernel(hs2, src2, dstp, z)
    mu, ls = _stage3(agg2, agg2, hs2, hs2, d0, d1,
                     bmu.reshape(1, OUT), bls.reshape(1, OUT))
    return mu[:N_NODES], ls[:N_NODES]

# --- scband reference (transcript-rebuilt; emitter-appended) ---
"""Pipeline reference for scband-variational-gcnencoder-55662776156329 (READ-ONLY COPY).

The authoritative reference and input builder live on the scoring server;
editing this copy changes nothing except your own understanding.
"""

import jax, jax.numpy as jnp
import numpy as np

N_NODES = 10000
IN_CH = 256
HID_CH = 256
OUT_CH = 128
N_EDGES = 160000


def _glorot(key, shape):
    fan_in, fan_out = shape[0], shape[1]
    limit = np.sqrt(6.0 / (fan_in + fan_out))
    return jax.random.uniform(key, shape, jnp.float32, -limit, limit)


def setup_inputs(seed: int = 0) -> dict:
    key = jax.random.key(seed)
    ks = jax.random.split(key, 8)
    x = jax.random.normal(ks[0], (N_NODES, IN_CH), dtype=jnp.float32)
    edge_index = jax.random.randint(ks[1], (2, N_EDGES), 0, N_NODES, dtype=jnp.int64)
    W1 = _glorot(ks[2], (IN_CH, HID_CH))
    b1 = jnp.zeros((HID_CH,), dtype=jnp.float32)
    Wmu = _glorot(ks[3], (HID_CH, OUT_CH))
    bmu = jnp.zeros((OUT_CH,), dtype=jnp.float32)
    Wls = _glorot(ks[4], (HID_CH, OUT_CH))
    bls = jnp.zeros((OUT_CH,), dtype=jnp.float32)
    return {"x": x, "edge_index": edge_index, "W1": W1, "b1": b1,
            "Wmu": Wmu, "bmu": bmu, "Wls": Wls, "bls": bls}


def _gcn_norm(edge_index, num_nodes):
    # add self-loops, then symmetric normalization (PyG gcn_norm, improved=False)
    loop = jnp.arange(num_nodes, dtype=edge_index.dtype)
    src = jnp.concatenate([edge_index[0], loop])
    dst = jnp.concatenate([edge_index[1], loop])
    ones = jnp.ones(src.shape[0], dtype=jnp.float32)
    deg = jax.ops.segment_sum(ones, dst, num_segments=num_nodes)
    deg_inv_sqrt = jnp.where(deg > 0, jax.lax.rsqrt(deg), 0.0)
    norm = deg_inv_sqrt[src] * deg_inv_sqrt[dst]
    return src, dst, norm


def _gcn_conv(x, src, dst, norm, W, b):
    h = x @ W
    msg = h[src] * norm[:, None]
    out = jax.ops.segment_sum(msg, dst, num_segments=x.shape[0])
    return out + b


def reference(x, edge_index, W1, b1, Wmu, bmu, Wls, bls):
    src, dst, norm = _gcn_norm(edge_index, x.shape[0])
    h = _gcn_conv(x, src, dst, norm, W1, b1)
    h = jax.nn.relu(h)
    # dropout is identity in eval mode
    mu = _gcn_conv(h, src, dst, norm, Wmu, bmu)
    logstd = _gcn_conv(h, src, dst, norm, Wls, bls)
    return (mu, logstd)

if __name__ == "__main__":
    import jax
    _d = setup_inputs()
    print(jax.jit(kernel)(*tuple(_d.values())))

</pallas_src>

<mosaic_0001>
#map = affine_map<(d0, d1) -> (0)>
#map1 = affine_map<(d0, d1) -> (0, 0)>
module attributes {stable_mosaic.version = 14 : i64} {
  func.func @_deg_kernel(%arg0: i32, %arg1: i32, %arg2: memref<163840xi32, #tpu.memory_space<hbm>>, %arg3: memref<2x10240xf32, #tpu.memory_space<hbm>>, %arg4: memref<5120xi32, #tpu.memory_space<vmem>>, %arg5: memref<10240xf32, #tpu.memory_space<vmem>>, %arg6: memref<16x640xf32, #tpu.memory_space<vmem>>, %arg7: memref<640xf32, #tpu.memory_space<vmem>>, %arg8: memref<16x10240xf32, #tpu.memory_space<vmem_shared>>) attributes {dimension_semantics = [#tpu.dimension_semantics<core_parallel>, #tpu.dimension_semantics<subcore_parallel>], iteration_bounds = array<i64: 2, 16>, scalar_prefetch = 0 : i64, scratch_operands = 5 : i64, tpu.core_type = #tpu.core_type<sc_vector_subcore>, window_params = [{transform_indices = #map}, {transform_indices = #map1}]} {
    %mul3A = arith.constant 16 : i32
    %mul3A_0 = arith.muli %arg0, %mul3A : i32
    %add3A = arith.addi %mul3A_0, %arg1 : i32
    %scan3A = arith.constant 0 : i32
    %scan3A_1 = arith.constant 0 : i32
    %scan3A_2 = arith.constant 640 : i32
    %scan3A_3 = arith.addi %scan3A_1, %scan3A_2 : i32
    %scan3A_4 = arith.constant 1 : i32
    %scan3A_5 = scf.for %scan3A_26 = %scan3A_1 to %scan3A_3 step %scan3A_4 iter_args(%scan3A_27 = %scan3A) -> (i32)  : i32 {
      %broadcast_in_dim3A_28 = arith.constant 0.000000e+00 : f32
      %broadcast_in_dim3A_29 = vector.broadcast %broadcast_in_dim3A_28 : f32 to vector<16xf32>
      %mul3A_30 = arith.constant 16 : i32
      %mul3A_31 = arith.muli %scan3A_26, %mul3A_30 : i32
      %swap3A = arith.index_cast %mul3A_31 : i32 to index
      %swap3A_32 = tpu.vector_load %arg5[%swap3A] {strides = array<i32>} : memref<10240xf32, #tpu.memory_space<vmem>>, vector<16xf32>,
      tpu.vector_store %arg5[%swap3A], %broadcast_in_dim3A_29 {strides = array<i32>} : memref<10240xf32, #tpu.memory_space<vmem>>, vector<16xf32>,
      %scan3A_33 = arith.constant 0 : i32
      scf.yield %scan3A_33 : i32
    }
    %scan3A_6 = arith.constant 640 : i32
    %mul3A_7 = arith.constant 5120 : i32
    %mul3A_8 = arith.muli %add3A, %mul3A_7 : i32
    "tpu.region"() ({
      %run_scoped3A = tpu.sem_alloc : memref<!tpu.dma_semaphore, #tpu.memory_space<semaphore_mem>>
      %dma_start3A = tpu.memref_slice %arg2[%mul3A_8] : memref<163840xi32, #tpu.memory_space<hbm>> -> memref<5120xi32, #tpu.memory_space<hbm>>
      %dma_start3A_26 = tpu.memref_slice %arg2[%mul3A_8] : memref<163840xi32, #tpu.memory_space<hbm>> -> memref<5120xi32, #tpu.memory_space<hbm>>
      tpu.enqueue_dma source(%dma_start3A_26 : memref<5120xi32, #tpu.memory_space<hbm>>) target(%arg4 : memref<5120xi32, #tpu.memory_space<vmem>>) target_semaphore(%run_scoped3A : memref<!tpu.dma_semaphore, #tpu.memory_space<semaphore_mem>>)
      %dma_wait3A = tpu.memref_slice %arg2[%mul3A_8] : memref<163840xi32, #tpu.memory_space<hbm>> -> memref<5120xi32, #tpu.memory_space<hbm>>
      %dma_wait3A_27 = tpu.memref_slice %arg2[%mul3A_8] : memref<163840xi32, #tpu.memory_space<hbm>> -> memref<5120xi32, #tpu.memory_space<hbm>>
      tpu.wait_dma2 semaphore(%run_scoped3A : memref<!tpu.dma_semaphore, #tpu.memory_space<semaphore_mem>>) src(%dma_wait3A_27 : memref<5120xi32, #tpu.memory_space<hbm>>) dst(%arg4 : memref<5120xi32, #tpu.memory_space<vmem>>)
      tpu.yield
    }) : () -> ()
    %broadcast_in_dim3A = arith.constant 1.000000e+00 : f32
    %broadcast_in_dim3A_9 = vector.broadcast %broadcast_in_dim3A : f32 to vector<16xf32>
    %scan3A_10 = arith.constant 0 : i32
    %scan3A_11 = arith.constant 0 : i32
    %scan3A_12 = arith.constant 320 : i32
    %scan3A_13 = arith.addi %scan3A_11, %scan3A_12 : i32
    %scan3A_14 = arith.constant 1 : i32
    %scan3A_15 = scf.for %scan3A_26 = %scan3A_11 to %scan3A_13 step %scan3A_14 iter_args(%scan3A_27 = %scan3A_10) -> (i32)  : i32 {
      %mul3A_28 = arith.constant 16 : i32
      %mul3A_29 = arith.muli %scan3A_26, %mul3A_28 : i32
      %get3A = arith.index_cast %mul3A_29 : i32 to index
      %get3A_30 = tpu.vector_load %arg4[%get3A] {strides = array<i32>} : memref<5120xi32, #tpu.memory_space<vmem>>, vector<16xi32>,
      tpu.vector_store_idx %arg5[%get3A_30], %broadcast_in_dim3A_9 {add = true} : memref<10240xf32, #tpu.memory_space<vmem>>[vector<16xi32>], vector<16xf32>,
      %scan3A_31 = arith.constant 0 : i32
      scf.yield %scan3A_31 : i32
    }
    %scan3A_16 = arith.constant 320 : i32
    "tpu.region"() ({
      %run_scoped3A = tpu.sem_alloc : memref<!tpu.dma_semaphore, #tpu.memory_space<semaphore_mem>>
      %dma_start3A = arith.constant 0 : i32
      %dma_start3A_26 = tpu.memref_slice %arg8[%arg1, %dma_start3A] : memref<16x10240xf32, #tpu.memory_space<vmem_shared>> -> memref<1x10240xf32, #tpu.memory_space<vmem_shared>>
      %dma_start3A_27 = tpu.memref_squeeze %dma_start3A_26 : memref<1x10240xf32, #tpu.memory_space<vmem_shared>> -> memref<10240xf32, #tpu.memory_space<vmem_shared>>
      %dma_start3A_28 = arith.constant 0 : i32
      %dma_start3A_29 = tpu.memref_slice %arg8[%arg1, %dma_start3A_28] : memref<16x10240xf32, #tpu.memory_space<vmem_shared>> -> memref<1x10240xf32, #tpu.memory_space<vmem_shared>>
      %dma_start3A_30 = tpu.memref_squeeze %dma_start3A_29 : memref<1x10240xf32, #tpu.memory_space<vmem_shared>> -> memref<10240xf32, #tpu.memory_space<vmem_shared>>
      tpu.enqueue_dma source(%arg5 : memref<10240xf32, #tpu.memory_space<vmem>>) target(%dma_start3A_30 : memref<10240xf32, #tpu.memory_space<vmem_shared>>) target_semaphore(%run_scoped3A : memref<!tpu.dma_semaphore, #tpu.memory_space<semaphore_mem>>)
      %dma_wait3A = arith.constant 0 : i32
      %dma_wait3A_31 = tpu.memref_slice %arg8[%arg1, %dma_wait3A] : memref<16x10240xf32, #tpu.memory_space<vmem_shared>> -> memref<1x10240xf32, #tpu.memory_space<vmem_shared>>
      %dma_wait3A_32 = tpu.memref_squeeze %dma_wait3A_31 : memref<1x10240xf32, #tpu.memory_space<vmem_shared>> -> memref<10240xf32, #tpu.memory_space<vmem_shared>>
      %dma_wait3A_33 = arith.constant 0 : i32
      %dma_wait3A_34 = tpu.memref_slice %arg8[%arg1, %dma_wait3A_33] : memref<16x10240xf32, #tpu.memory_space<vmem_shared>> -> memref<1x10240xf32, #tpu.memory_space<vmem_shared>>
      %dma_wait3A_35 = tpu.memref_squeeze %dma_wait3A_34 : memref<1x10240xf32, #tpu.memory_space<vmem_shared>> -> memref<10240xf32, #tpu.memory_space<vmem_shared>>
      tpu.wait_dma2 semaphore(%run_scoped3A : memref<!tpu.dma_semaphore, #tpu.memory_space<semaphore_mem>>) src(%arg5 : memref<10240xf32, #tpu.memory_space<vmem>>) dst(%dma_wait3A_35 : memref<10240xf32, #tpu.memory_space<vmem_shared>>)
      tpu.yield
    }) : () -> ()
    %barrier3A = arith.constant 0 : index
    tpu.barrier barrier_id(%barrier3A)
    %mul3A_17 = arith.constant 640 : i32
    %mul3A_18 = arith.muli %arg1, %mul3A_17 : i32
    "tpu.region"() ({
      %run_scoped3A = tpu.sem_alloc : memref<!tpu.dma_semaphore, #tpu.memory_space<semaphore_mem>>
      %dma_start3A = arith.constant 0 : i32
      %dma_start3A_26 = tpu.memref_slice %arg8[%dma_start3A, %mul3A_18] : memref<16x10240xf32, #tpu.memory_space<vmem_shared>> -> memref<16x640xf32, #tpu.memory_space<vmem_shared>>
      %dma_start3A_27 = arith.constant 0 : i32
      %dma_start3A_28 = tpu.memref_slice %arg8[%dma_start3A_27, %mul3A_18] : memref<16x10240xf32, #tpu.memory_space<vmem_shared>> -> memref<16x640xf32, #tpu.memory_space<vmem_shared>>
      tpu.enqueue_dma source(%dma_start3A_28 : memref<16x640xf32, #tpu.memory_space<vmem_shared>>) target(%arg6 : memref<16x640xf32, #tpu.memory_space<vmem>>) target_semaphore(%run_scoped3A : memref<!tpu.dma_semaphore, #tpu.memory_space<semaphore_mem>>)
      %dma_wait3A = arith.constant 0 : i32
      %dma_wait3A_29 = tpu.memref_slice %arg8[%dma_wait3A, %mul3A_18] : memref<16x10240xf32, #tpu.memory_space<vmem_shared>> -> memref<16x640xf32, #tpu.memory_space<vmem_shared>>
      %dma_wait3A_30 = arith.constant 0 : i32
      %dma_wait3A_31 = tpu.memref_slice %arg8[%dma_wait3A_30, %mul3A_18] : memref<16x10240xf32, #tpu.memory_space<vmem_shared>> -> memref<16x640xf32, #tpu.memory_space<vmem_shared>>
      tpu.wait_dma2 semaphore(%run_scoped3A : memref<!tpu.dma_semaphore, #tpu.memory_space<semaphore_mem>>) src(%dma_wait3A_31 : memref<16x640xf32, #tpu.memory_space<vmem_shared>>) dst(%arg6 : memref<16x640xf32, #tpu.memory_space<vmem>>)
      tpu.yield
    }) : () -> ()
    %scan3A_19 = arith.constant 0 : i32
    %scan3A_20 = arith.constant 0 : i32
    %scan3A_21 = arith.constant 40 : i32
    %scan3A_22 = arith.addi %scan3A_20, %scan3A_21 : i32
    %scan3A_23 = arith.constant 1 : i32
    %scan3A_24 = scf.for %scan3A_26 = %scan3A_20 to %scan3A_22 step %scan3A_23 iter_args(%scan3A_27 = %scan3A_19) -> (i32)  : i32 {
      %mul3A_28 = arith.constant 16 : i32
      %mul3A_29 = arith.muli %scan3A_26, %mul3A_28 : i32
      %get3A = arith.constant 0 : i32
      %get3A_30 = arith.index_cast %get3A : i32 to index
      %get3A_31 = arith.index_cast %mul3A_29 : i32 to index
      %get3A_32 = tpu.vector_load %arg6[%get3A_30, %get3A_31] {strides = array<i32>} : memref<16x640xf32, #tpu.memory_space<vmem>>, vector<16xf32>,
      %mul3A_33 = arith.constant 16 : i32
      %mul3A_34 = arith.muli %scan3A_26, %mul3A_33 : i32
      %get3A_35 = arith.constant 1 : i32
      %get3A_36 = arith.index_cast %get3A_35 : i32 to index
      %get3A_37 = arith.index_cast %mul3A_34 : i32 to index
      %get3A_38 = tpu.vector_load %arg6[%get3A_36, %get3A_37] {strides = array<i32>} : memref<16x640xf32, #tpu.memory_space<vmem>>, vector<16xf32>,
      %add3A_39 = arith.addf %get3A_32, %get3A_38 : vector<16xf32>
      %mul3A_40 = arith.constant 16 : i32
      %mul3A_41 = arith.muli %scan3A_26, %mul3A_40 : i32
      %get3A_42 = arith.constant 2 : i32
      %get3A_43 = arith.index_cast %get3A_42 : i32 to index
      %get3A_44 = arith.index_cast %mul3A_41 : i32 to index
      %get3A_45 = tpu.vector_load %arg6[%get3A_43, %get3A_44] {strides = array<i32>} : memref<16x640xf32, #tpu.memory_space<vmem>>, vector<16xf32>,
      %add3A_46 = arith.addf %add3A_39, %get3A_45 : vector<16xf32>
      %mul3A_47 = arith.constant 16 : i32
      %mul3A_48 = arith.muli %scan3A_26, %mul3A_47 : i32
      %get3A_49 = arith.constant 3 : i32
      %get3A_50 = arith.index_cast %get3A_49 : i32 to index
      %get3A_51 = arith.index_cast %mul3A_48 : i32 to index
      %get3A_52 = tpu.vector_load %arg6[%get3A_50, %get3A_51] {strides = array<i32>} : memref<16x640xf32, #tpu.memory_space<vmem>>, vector<16xf32>,
      %add3A_53 = arith.addf %add3A_46, %get3A_52 : vector<16xf32>
      %mul3A_54 = arith.constant 16 : i32
      %mul3A_55 = arith.muli %scan3A_26, %mul3A_54 : i32
      %get3A_56 = arith.constant 4 : i32
      %get3A_57 = arith.index_cast %get3A_56 : i32 to index
      %get3A_58 = arith.index_cast %mul3A_55 : i32 to index
      %get3A_59 = tpu.vector_load %arg6[%get3A_57, %get3A_58] {strides = array<i32>} : memref<16x640xf32, #tpu.memory_space<vmem>>, vector<16xf32>,
      %add3A_60 = arith.addf %add3A_53, %get3A_59 : vector<16xf32>
      %mul3A_61 = arith.constant 16 : i32
      %mul3A_62 = arith.muli %scan3A_26, %mul3A_61 : i32
      %get3A_63 = arith.constant 5 : i32
      %get3A_64 = arith.index_cast %get3A_63 : i32 to index
      %get3A_65 = arith.index_cast %mul3A_62 : i32 to index
      %get3A_66 = tpu.vector_load %arg6[%get3A_64, %get3A_65] {strides = array<i32>} : memref<16x640xf32, #tpu.memory_space<vmem>>, vector<16xf32>,
      %add3A_67 = arith.addf %add3A_60, %get3A_66 : vector<16xf32>
      %mul3A_68 = arith.constant 16 : i32
      %mul3A_69 = arith.muli %scan3A_26, %mul3A_68 : i32
      %get3A_70 = arith.constant 6 : i32
      %get3A_71 = arith.index_cast %get3A_70 : i32 to index
      %get3A_72 = arith.index_cast %mul3A_69 : i32 to index
      %get3A_73 = tpu.vector_load %arg6[%get3A_71, %get3A_72] {strides = array<i32>} : memref<16x640xf32, #tpu.memory_space<vmem>>, vector<16xf32>,
      %add3A_74 = arith.addf %add3A_67, %get3A_73 : vector<16xf32>
      %mul3A_75 = arith.constant 16 : i32
      %mul3A_76 = arith.muli %scan3A_26, %mul3A_75 : i32
      %get3A_77 = arith.constant 7 : i32
      %get3A_78 = arith.index_cast %get3A_77 : i32 to index
      %get3A_79 = arith.index_cast %mul3A_76 : i32 to index
      %get3A_80 = tpu.vector_load %arg6[%get3A_78, %get3A_79] {strides = array<i32>} : memref<16x640xf32, #tpu.memory_space<vmem>>, vector<16xf32>,
      %add3A_81 = arith.addf %add3A_74, %get3A_80 : vector<16xf32>
      %mul3A_82 = arith.constant 16 : i32
      %mul3A_83 = arith.muli %scan3A_26, %mul3A_82 : i32
      %get3A_84 = arith.constant 8 : i32
      %get3A_85 = arith.index_cast %get3A_84 : i32 to index
      %get3A_86 = arith.index_cast %mul3A_83 : i32 to index
      %get3A_87 = tpu.vector_load %arg6[%get3A_85, %get3A_86] {strides = array<i32>} : memref<16x640xf32, #tpu.memory_space<vmem>>, vector<16xf32>,
      %add3A_88 = arith.addf %add3A_81, %get3A_87 : vector<16xf32>
      %mul3A_89 = arith.constant 16 : i32
      %mul3A_90 = arith.muli %scan3A_26, %mul3A_89 : i32
      %get3A_91 = arith.constant 9 : i32
      %get3A_92 = arith.index_cast %get3A_91 : i32 to index
      %get3A_93 = arith.index_cast %mul3A_90 : i32 to index
      %get3A_94 = tpu.vector_load %arg6[%get3A_92, %get3A_93] {strides = array<i32>} : memref<16x640xf32, #tpu.memory_space<vmem>>, vector<16xf32>,
      %add3A_95 = arith.addf %add3A_88, %get3A_94 : vector<16xf32>
      %mul3A_96 = arith.constant 16 : i32
      %mul3A_97 = arith.muli %scan3A_26, %mul3A_96 : i32
      %get3A_98 = arith.constant 10 : i32
      %get3A_99 = arith.index_cast %get3A_98 : i32 to index
      %get3A_100 = arith.index_cast %mul3A_97 : i32 to index
      %get3A_101 = tpu.vector_load %arg6[%get3A_99, %get3A_100] {strides = array<i32>} : memref<16x640xf32, #tpu.memory_space<vmem>>, vector<16xf32>,
      %add3A_102 = arith.addf %add3A_95, %get3A_101 : vector<16xf32>
      %mul3A_103 = arith.constant 16 : i32
      %mul3A_104 = arith.muli %scan3A_26, %mul3A_103 : i32
      %get3A_105 = arith.constant 11 : i32
      %get3A_106 = arith.index_cast %get3A_105 : i32 to index
      %get3A_107 = arith.index_cast %mul3A_104 : i32 to index
      %get3A_108 = tpu.vector_load %arg6[%get3A_106, %get3A_107] {strides = array<i32>} : memref<16x640xf32, #tpu.memory_space<vmem>>, vector<16xf32>,
      %add3A_109 = arith.addf %add3A_102, %get3A_108 : vector<16xf32>
      %mul3A_110 = arith.constant 16 : i32
      %mul3A_111 = arith.muli %scan3A_26, %mul3A_110 : i32
      %get3A_112 = arith.constant 12 : i32
      %get3A_113 = arith.index_cast %get3A_112 : i32 to index
      %get3A_114 = arith.index_cast %mul3A_111 : i32 to index
      %get3A_115 = tpu.vector_load %arg6[%get3A_113, %get3A_114] {strides = array<i32>} : memref<16x640xf32, #tpu.memory_space<vmem>>, vector<16xf32>,
      %add3A_116 = arith.addf %add3A_109, %get3A_115 : vector<16xf32>
      %mul3A_117 = arith.constant 16 : i32
      %mul3A_118 = arith.muli %scan3A_26, %mul3A_117 : i32
      %get3A_119 = arith.constant 13 : i32
      %get3A_120 = arith.index_cast %get3A_119 : i32 to index
      %get3A_121 = arith.index_cast %mul3A_118 : i32 to index
      %get3A_122 = tpu.vector_load %arg6[%get3A_120, %get3A_121] {strides = array<i32>} : memref<16x640xf32, #tpu.memory_space<vmem>>, vector<16xf32>,
      %add3A_123 = arith.addf %add3A_116, %get3A_122 : vector<16xf32>
      %mul3A_124 = arith.constant 16 : i32
      %mul3A_125 = arith.muli %scan3A_26, %mul3A_124 : i32
      %get3A_126 = arith.constant 14 : i32
      %get3A_127 = arith.index_cast %get3A_126 : i32 to index
      %get3A_128 = arith.index_cast %mul3A_125 : i32 to index
      %get3A_129 = tpu.vector_load %arg6[%get3A_127, %get3A_128] {strides = array<i32>} : memref<16x640xf32, #tpu.memory_space<vmem>>, vector<16xf32>,
      %add3A_130 = arith.addf %add3A_123, %get3A_129 : vector<16xf32>
      %mul3A_131 = arith.constant 16 : i32
      %mul3A_132 = arith.muli %scan3A_26, %mul3A_131 : i32
      %get3A_133 = arith.constant 15 : i32
      %get3A_134 = arith.index_cast %get3A_133 : i32 to index
      %get3A_135 = arith.index_cast %mul3A_132 : i32 to index
      %get3A_136 = tpu.vector_load %arg6[%get3A_134, %get3A_135] {strides = array<i32>} : memref<16x640xf32, #tpu.memory_space<vmem>>, vector<16xf32>,
      %add3A_137 = arith.addf %add3A_130, %get3A_136 : vector<16xf32>
      %mul3A_138 = arith.constant 16 : i32
      %mul3A_139 = arith.muli %scan3A_26, %mul3A_138 : i32
      %swap3A = arith.index_cast %mul3A_139 : i32 to index
      %swap3A_140 = tpu.vector_load %arg7[%swap3A] {strides = array<i32>} : memref<640xf32, #tpu.memory_space<vmem>>, vector<16xf32>,
      tpu.vector_store %arg7[%swap3A], %add3A_137 {strides = array<i32>} : memref<640xf32, #tpu.memory_space<vmem>>, vector<16xf32>,
      %scan3A_141 = arith.constant 0 : i32
      scf.yield %scan3A_141 : i32
    }
    %scan3A_25 = arith.constant 40 : i32
    "tpu.region"() ({
      %run_scoped3A = tpu.sem_alloc : memref<!tpu.dma_semaphore, #tpu.memory_space<semaphore_mem>>
      %dma_start3A = tpu.memref_slice %arg3[%arg0, %mul3A_18] : memref<2x10240xf32, #tpu.memory_space<hbm>> -> memref<1x640xf32, #tpu.memory_space<hbm>>
      %dma_start3A_26 = tpu.memref_squeeze %dma_start3A : memref<1x640xf32, #tpu.memory_space<hbm>> -> memref<640xf32, #tpu.memory_space<hbm>>
      %dma_start3A_27 = tpu.memref_slice %arg3[%arg0, %mul3A_18] : memref<2x10240xf32, #tpu.memory_space<hbm>> -> memref<1x640xf32, #tpu.memory_space<hbm>>
      %dma_start3A_28 = tpu.memref_squeeze %dma_start3A_27 : memref<1x640xf32, #tpu.memory_space<hbm>> -> memref<640xf32, #tpu.memory_space<hbm>>
      tpu.enqueue_dma source(%arg7 : memref<640xf32, #tpu.memory_space<vmem>>) target(%dma_start3A_28 : memref<640xf32, #tpu.memory_space<hbm>>) target_semaphore(%run_scoped3A : memref<!tpu.dma_semaphore, #tpu.memory_space<semaphore_mem>>)
      %dma_wait3A = tpu.memref_slice %arg3[%arg0, %mul3A_18] : memref<2x10240xf32, #tpu.memory_space<hbm>> -> memref<1x640xf32, #tpu.memory_space<hbm>>
      %dma_wait3A_29 = tpu.memref_squeeze %dma_wait3A : memref<1x640xf32, #tpu.memory_space<hbm>> -> memref<640xf32, #tpu.memory_space<hbm>>
      %dma_wait3A_30 = tpu.memref_slice %arg3[%arg0, %mul3A_18] : memref<2x10240xf32, #tpu.memory_space<hbm>> -> memref<1x640xf32, #tpu.memory_space<hbm>>
      %dma_wait3A_31 = tpu.memref_squeeze %dma_wait3A_30 : memref<1x640xf32, #tpu.memory_space<hbm>> -> memref<640xf32, #tpu.memory_space<hbm>>
      tpu.wait_dma2 semaphore(%run_scoped3A : memref<!tpu.dma_semaphore, #tpu.memory_space<semaphore_mem>>) src(%arg7 : memref<640xf32, #tpu.memory_space<vmem>>) dst(%dma_wait3A_31 : memref<640xf32, #tpu.memory_space<hbm>>)
      tpu.yield
    }) : () -> ()
    return
  }
}

#map = affine_map<(d0, d1) -> (0, 0)>
#map1 = affine_map<(d0, d1) -> (0)>
module attributes {stable_mosaic.version = 14 : i64} {
  func.func @_spmm_kernel(%arg0: i32, %arg1: i32, %arg2: memref<20480x128xf32, #tpu.memory_space<hbm>>, %arg3: memref<2x163840xi32, #tpu.memory_space<hbm>>, %arg4: memref<163840xi32, #tpu.memory_space<hbm>>, %arg5: memref<10240x128xf32, #tpu.memory_space<hbm>>, %arg6: memref<20480x128xf32, #tpu.memory_space<hbm>>, %arg7: memref<128xi32, #tpu.memory_space<vmem>>, %arg8: memref<128xi32, #tpu.memory_space<vmem>>, %arg9: memref<128xi32, #tpu.memory_space<vmem>>, %arg10: memref<128xi32, #tpu.memory_space<vmem>>, %arg11: memref<128xi32, #tpu.memory_space<vmem>>, %arg12: memref<128xi32, #tpu.memory_space<vmem>>, %arg13: memref<128x128xf32, #tpu.memory_space<vmem>>, %arg14: memref<128x128xf32, #tpu.memory_space<vmem>>, %arg15: memref<10240x128xf32, #tpu.memory_space<vmem_shared>>, %arg16: memref<!tpu.dma_semaphore, #tpu.memory_space<semaphore_mem>>, %arg17: memref<!tpu.dma_semaphore, #tpu.memory_space<semaphore_mem>>, %arg18: memref<!tpu.dma_semaphore, #tpu.memory_space<semaphore_mem>>, %arg19: memref<!tpu.dma_semaphore, #tpu.memory_space<semaphore_mem>>, %arg20: memref<!tpu.dma_semaphore, #tpu.memory_space<semaphore_mem>>) attributes {dimension_semantics = [#tpu.dimension_semantics<core_parallel>, #tpu.dimension_semantics<subcore_parallel>], iteration_bounds = array<i64: 2, 16>, scalar_prefetch = 0 : i64, scratch_operands = 14 : i64, tpu.core_type = #tpu.core_type<sc_vector_subcore>, window_params = [{transform_indices = #map}, {transform_indices = #map}, {transform_indices = #map1}, {transform_indices = #map}, {transform_indices = #map}]} {
    %mul3A = arith.constant 640 : i32
    %mul3A_0 = arith.muli %arg1, %mul3A : i32
    "tpu.region"() ({
      %run_scoped3A = tpu.sem_alloc : memref<!tpu.dma_semaphore, #tpu.memory_space<semaphore_mem>>
      %dma_start3A_38 = arith.constant 0 : i32
      %dma_start3A_39 = tpu.memref_slice %arg15[%mul3A_0, %dma_start3A_38] : memref<10240x128xf32, #tpu.memory_space<vmem_shared>> -> memref<640x128xf32, #tpu.memory_space<vmem_shared>>
      %dma_start3A_40 = arith.constant 0 : i32
      %dma_start3A_41 = tpu.memref_slice %arg5[%mul3A_0, %dma_start3A_40] : memref<10240x128xf32, #tpu.memory_space<hbm>> -> memref<640x128xf32, #tpu.memory_space<hbm>>
      tpu.enqueue_dma source(%dma_start3A_41 : memref<640x128xf32, #tpu.memory_space<hbm>>) target(%dma_start3A_39 : memref<640x128xf32, #tpu.memory_space<vmem_shared>>) target_semaphore(%run_scoped3A : memref<!tpu.dma_semaphore, #tpu.memory_space<semaphore_mem>>)
      %dma_wait3A_42 = arith.constant 0 : i32
      %dma_wait3A_43 = tpu.memref_slice %arg15[%mul3A_0, %dma_wait3A_42] : memref<10240x128xf32, #tpu.memory_space<vmem_shared>> -> memref<640x128xf32, #tpu.memory_space<vmem_shared>>
      %dma_wait3A_44 = arith.constant 0 : i32
      %dma_wait3A_45 = tpu.memref_slice %arg5[%mul3A_0, %dma_wait3A_44] : memref<10240x128xf32, #tpu.memory_space<hbm>> -> memref<640x128xf32, #tpu.memory_space<hbm>>
      tpu.wait_dma2 semaphore(%run_scoped3A : memref<!tpu.dma_semaphore, #tpu.memory_space<semaphore_mem>>) src(%dma_wait3A_45 : memref<640x128xf32, #tpu.memory_space<hbm>>) dst(%dma_wait3A_43 : memref<640x128xf32, #tpu.memory_space<vmem_shared>>)
      tpu.yield
    }) : () -> ()
    %barrier3A = arith.constant 0 : index
    tpu.barrier barrier_id(%barrier3A)
    %mul3A_1 = arith.constant 10240 : i32
    %mul3A_2 = arith.muli %arg1, %mul3A_1 : i32
    %add3A = arith.constant 0 : i32
    %add3A_3 = arith.addi %mul3A_2, %add3A : i32
    %dma_start3A = tpu.memref_slice %arg3[%arg0, %add3A_3] : memref<2x163840xi32, #tpu.memory_space<hbm>> -> memref<1x128xi32, #tpu.memory_space<hbm>>
    %dma_start3A_4 = tpu.memref_squeeze %dma_start3A : memref<1x128xi32, #tpu.memory_space<hbm>> -> memref<128xi32, #tpu.memory_space<hbm>>
    %dma_start3A_5 = tpu.memref_slice %arg3[%arg0, %add3A_3] : memref<2x163840xi32, #tpu.memory_space<hbm>> -> memref<1x128xi32, #tpu.memory_space<hbm>>
    %dma_start3A_6 = tpu.memref_squeeze %dma_start3A_5 : memref<1x128xi32, #tpu.memory_space<hbm>> -> memref<128xi32, #tpu.memory_space<hbm>>
    tpu.enqueue_dma source(%dma_start3A_6 : memref<128xi32, #tpu.memory_space<hbm>>) target(%arg7 : memref<128xi32, #tpu.memory_space<vmem>>) target_semaphore(%arg17 : memref<!tpu.dma_semaphore, #tpu.memory_space<semaphore_mem>>)
    %dma_start3A_7 = tpu.memref_slice %arg4[%add3A_3] : memref<163840xi32, #tpu.memory_space<hbm>> -> memref<128xi32, #tpu.memory_space<hbm>>
    %dma_start3A_8 = tpu.memref_slice %arg4[%add3A_3] : memref<163840xi32, #tpu.memory_space<hbm>> -> memref<128xi32, #tpu.memory_space<hbm>>
    tpu.enqueue_dma source(%dma_start3A_8 : memref<128xi32, #tpu.memory_space<hbm>>) target(%arg9 : memref<128xi32, #tpu.memory_space<vmem>>) target_semaphore(%arg17 : memref<!tpu.dma_semaphore, #tpu.memory_space<semaphore_mem>>)
    %add3A_9 = arith.constant 128 : i32
    %add3A_10 = arith.addi %mul3A_2, %add3A_9 : i32
    %dma_start3A_11 = tpu.memref_slice %arg3[%arg0, %add3A_10] : memref<2x163840xi32, #tpu.memory_space<hbm>> -> memref<1x128xi32, #tpu.memory_space<hbm>>
    %dma_start3A_12 = tpu.memref_squeeze %dma_start3A_11 : memref<1x128xi32, #tpu.memory_space<hbm>> -> memref<128xi32, #tpu.memory_space<hbm>>
    %dma_start3A_13 = tpu.memref_slice %arg3[%arg0, %add3A_10] : memref<2x163840xi32, #tpu.memory_space<hbm>> -> memref<1x128xi32, #tpu.memory_space<hbm>>
    %dma_start3A_14 = tpu.memref_squeeze %dma_start3A_13 : memref<1x128xi32, #tpu.memory_space<hbm>> -> memref<128xi32, #tpu.memory_space<hbm>>
    tpu.enqueue_dma source(%dma_start3A_14 : memref<128xi32, #tpu.memory_space<hbm>>) target(%arg8 : memref<128xi32, #tpu.memory_space<vmem>>) target_semaphore(%arg18 : memref<!tpu.dma_semaphore, #tpu.memory_space<semaphore_mem>>)
    %dma_start3A_15 = tpu.memref_slice %arg4[%add3A_10] : memref<163840xi32, #tpu.memory_space<hbm>> -> memref<128xi32, #tpu.memory_space<hbm>>
    %dma_start3A_16 = tpu.memref_slice %arg4[%add3A_10] : memref<163840xi32, #tpu.memory_space<hbm>> -> memref<128xi32, #tpu.memory_space<hbm>>
    tpu.enqueue_dma source(%dma_start3A_16 : memref<128xi32, #tpu.memory_space<hbm>>) target(%arg10 : memref<128xi32, #tpu.memory_space<vmem>>) target_semaphore(%arg18 : memref<!tpu.dma_semaphore, #tpu.memory_space<semaphore_mem>>)
    %scan3A = arith.constant 0 : i32
    %scan3A_17 = arith.constant 0 : i32
    %scan3A_18 = arith.constant 40 : i32
    %scan3A_19 = arith.addi %scan3A_17, %scan3A_18 : i32
    %scan3A_20 = arith.constant 1 : i32
    %scan3A_21 = scf.for %scan3A_38 = %scan3A_17 to %scan3A_19 step %scan3A_20 iter_args(%scan3A_39 = %scan3A) -> (i32)  : i32 {
      %mul3A_40 = arith.constant 2 : i32
      %mul3A_41 = arith.muli %mul3A_40, %scan3A_38 : i32
      %add3A_42 = arith.constant 0 : i32
      %add3A_43 = arith.addi %mul3A_41, %add3A_42 : i32
      %dma_wait3A_44 = arith.constant 0 : i32
      %dma_wait3A_45 = tpu.memref_slice %arg3[%arg0, %dma_wait3A_44] : memref<2x163840xi32, #tpu.memory_space<hbm>> -> memref<1x128xi32, #tpu.memory_space<hbm>>
      %dma_wait3A_46 = tpu.memref_squeeze %dma_wait3A_45 : memref<1x128xi32, #tpu.memory_space<hbm>> -> memref<128xi32, #tpu.memory_space<hbm>>
      %dma_wait3A_47 = arith.constant 0 : i32
      %dma_wait3A_48 = tpu.memref_slice %arg3[%arg0, %dma_wait3A_47] : memref<2x163840xi32, #tpu.memory_space<hbm>> -> memref<1x128xi32, #tpu.memory_space<hbm>>
      %dma_wait3A_49 = tpu.memref_squeeze %dma_wait3A_48 : memref<1x128xi32, #tpu.memory_space<hbm>> -> memref<128xi32, #tpu.memory_space<hbm>>
      tpu.wait_dma2 semaphore(%arg17 : memref<!tpu.dma_semaphore, #tpu.memory_space<semaphore_mem>>) src(%dma_wait3A_49 : memref<128xi32, #tpu.memory_space<hbm>>) dst(%arg7 : memref<128xi32, #tpu.memory_space<vmem>>)
      %dma_wait3A_50 = arith.constant 0 : i32
      %dma_wait3A_51 = tpu.memref_slice %arg4[%dma_wait3A_50] : memref<163840xi32, #tpu.memory_space<hbm>> -> memref<128xi32, #tpu.memory_space<hbm>>
      %dma_wait3A_52 = arith.constant 0 : i32
      %dma_wait3A_53 = tpu.memref_slice %arg4[%dma_wait3A_52] : memref<163840xi32, #tpu.memory_space<hbm>> -> memref<128xi32, #tpu.memory_space<hbm>>
      tpu.wait_dma2 semaphore(%arg17 : memref<!tpu.dma_semaphore, #tpu.memory_space<semaphore_mem>>) src(%dma_wait3A_53 : memref<128xi32, #tpu.memory_space<hbm>>) dst(%arg9 : memref<128xi32, #tpu.memory_space<vmem>>)
      %gt3A = arith.constant 0 : i32
      %gt3A_54 = arith.cmpi sgt, %scan3A_38, %gt3A : i32
      %convert_element_type3A = arith.extui %gt3A_54 : i1 to i32
      %cond3A = arith.constant 0 : i32
      %cond3A_55 = arith.cmpi ne, %convert_element_type3A, %cond3A : i32
      scf.if %cond3A_55 {
        %dma_wait3A_217 = arith.constant 0 : i32
        %dma_wait3A_218 = arith.constant 0 : i32
        %dma_wait3A_219 = tpu.memref_slice %arg5[%dma_wait3A_217, %dma_wait3A_218] : memref<10240x128xf32, #tpu.memory_space<hbm>> -> memref<128x128xf32, #tpu.memory_space<hbm>>
        %dma_wait3A_220 = arith.constant 0 : i32
        %dma_wait3A_221 = arith.constant 0 : i32
        %dma_wait3A_222 = tpu.memref_slice %arg5[%dma_wait3A_220, %dma_wait3A_221] : memref<10240x128xf32, #tpu.memory_space<hbm>> -> memref<128x128xf32, #tpu.memory_space<hbm>>
        tpu.wait_dma2 semaphore(%arg19 : memref<!tpu.dma_semaphore, #tpu.memory_space<semaphore_mem>>) src(%dma_wait3A_222 : memref<128x128xf32, #tpu.memory_space<hbm>>) dst(%arg13 : memref<128x128xf32, #tpu.memory_space<vmem>>)
      } else {
      }
      %get3A = arith.constant 0 : index
      %get3A_56 = tpu.vector_load %arg9[%get3A] {strides = array<i32>} : memref<128xi32, #tpu.memory_space<vmem>>, vector<16xi32>,
      %get3A_57 = vector.shape_cast %get3A_56 : vector<16xi32> to vector<16xi32>
      %swap3A = arith.constant 0 : index
      %swap3A_58 = tpu.vector_load %arg11[%swap3A] {strides = array<i32>} : memref<128xi32, #tpu.memory_space<vmem>>, vector<16xi32>,
      %swap3A_59 = vector.shape_cast %swap3A_58 : vector<16xi32> to vector<16xi32>
      %swap3A_60 = vector.shape_cast %get3A_57 : vector<16xi32> to vector<16xi32>
      tpu.vector_store %arg11[%swap3A], %swap3A_60 {strides = array<i32>} : memref<128xi32, #tpu.memory_space<vmem>>, vector<16xi32>,
      %get3A_61 = arith.constant 16 : index
      %get3A_62 = tpu.vector_load %arg9[%get3A_61] {strides = array<i32>} : memref<128xi32, #tpu.memory_space<vmem>>, vector<16xi32>,
      %get3A_63 = vector.shape_cast %get3A_62 : vector<16xi32> to vector<16xi32>
      %swap3A_64 = arith.constant 16 : index
      %swap3A_65 = tpu.vector_load %arg11[%swap3A_64] {strides = array<i32>} : memref<128xi32, #tpu.memory_space<vmem>>, vector<16xi32>,
      %swap3A_66 = vector.shape_cast %swap3A_65 : vector<16xi32> to vector<16xi32>
      %swap3A_67 = vector.shape_cast %get3A_63 : vector<16xi32> to vector<16xi32>
      tpu.vector_store %arg11[%swap3A_64], %swap3A_67 {strides = array<i32>} : memref<128xi32, #tpu.memory_space<vmem>>, vector<16xi32>,
      %get3A_68 = arith.constant 32 : index
      %get3A_69 = tpu.vector_load %arg9[%get3A_68] {strides = array<i32>} : memref<128xi32, #tpu.memory_space<vmem>>, vector<16xi32>,
      %get3A_70 = vector.shape_cast %get3A_69 : vector<16xi32> to vector<16xi32>
      %swap3A_71 = arith.constant 32 : index
      %swap3A_72 = tpu.vector_load %arg11[%swap3A_71] {strides = array<i32>} : memref<128xi32, #tpu.memory_space<vmem>>, vector<16xi32>,
      %swap3A_73 = vector.shape_cast %swap3A_72 : vector<16xi32> to vector<16xi32>
      %swap3A_74 = vector.shape_cast %get3A_70 : vector<16xi32> to vector<16xi32>
      tpu.vector_store %arg11[%swap3A_71], %swap3A_74 {strides = array<i32>} : memref<128xi32, #tpu.memory_space<vmem>>, vector<16xi32>,
      %get3A_75 = arith.constant 48 : index
      %get3A_76 = tpu.vector_load %arg9[%get3A_75] {strides = array<i32>} : memref<128xi32, #tpu.memory_space<vmem>>, vector<16xi32>,
      %get3A_77 = vector.shape_cast %get3A_76 : vector<16xi32> to vector<16xi32>
      %swap3A_78 = arith.constant 48 : index
      %swap3A_79 = tpu.vector_load %arg11[%swap3A_78] {strides = array<i32>} : memref<128xi32, #tpu.memory_space<vmem>>, vector<16xi32>,
      %swap3A_80 = vector.shape_cast %swap3A_79 : vector<16xi32> to vector<16xi32>
      %swap3A_81 = vector.shape_cast %get3A_77 : vector<16xi32> to vector<16xi32>
      tpu.vector_store %arg11[%swap3A_78], %swap3A_81 {strides = array<i32>} : memref<128xi32, #tpu.memory_space<vmem>>, vector<16xi32>,
      %get3A_82 = arith.constant 64 : index
      %get3A_83 = tpu.vector_load %arg9[%get3A_82] {strides = array<i32>} : memref<128xi32, #tpu.memory_space<vmem>>, vector<16xi32>,
      %get3A_84 = vector.shape_cast %get3A_83 : vector<16xi32> to vector<16xi32>
      %swap3A_85 = arith.constant 64 : index
      %swap3A_86 = tpu.vector_load %arg11[%swap3A_85] {strides = array<i32>} : memref<128xi32, #tpu.memory_space<vmem>>, vector<16xi32>,
      %swap3A_87 = vector.shape_cast %swap3A_86 : vector<16xi32> to vector<16xi32>
      %swap3A_88 = vector.shape_cast %get3A_84 : vector<16xi32> to vector<16xi32>
      tpu.vector_store %arg11[%swap3A_85], %swap3A_88 {strides = array<i32>} : memref<128xi32, #tpu.memory_space<vmem>>, vector<16xi32>,
      %get3A_89 = arith.constant 80 : index
      %get3A_90 = tpu.vector_load %arg9[%get3A_89] {strides = array<i32>} : memref<128xi32, #tpu.memory_space<vmem>>, vector<16xi32>,
      %get3A_91 = vector.shape_cast %get3A_90 : vector<16xi32> to vector<16xi32>
      %swap3A_92 = arith.constant 80 : index
      %swap3A_93 = tpu.vector_load %arg11[%swap3A_92] {strides = array<i32>} : memref<128xi32, #tpu.memory_space<vmem>>, vector<16xi32>,
      %swap3A_94 = vector.shape_cast %swap3A_93 : vector<16xi32> to vector<16xi32>
      %swap3A_95 = vector.shape_cast %get3A_91 : vector<16xi32> to vector<16xi32>
      tpu.vector_store %arg11[%swap3A_92], %swap3A_95 {strides = array<i32>} : memref<128xi32, #tpu.memory_space<vmem>>, vector<16xi32>,
      %get3A_96 = arith.constant 96 : index
      %get3A_97 = tpu.vector_load %arg9[%get3A_96] {strides = array<i32>} : memref<128xi32, #tpu.memory_space<vmem>>, vector<16xi32>,
      %get3A_98 = vector.shape_cast %get3A_97 : vector<16xi32> to vector<16xi32>
      %swap3A_99 = arith.constant 96 : index
      %swap3A_100 = tpu.vector_load %arg11[%swap3A_99] {strides = array<i32>} : memref<128xi32, #tpu.memory_space<vmem>>, vector<16xi32>,
      %swap3A_101 = vector.shape_cast %swap3A_100 : vector<16xi32> to vector<16xi32>
      %swap3A_102 = vector.shape_cast %get3A_98 : vector<16xi32> to vector<16xi32>
      tpu.vector_store %arg11[%swap3A_99], %swap3A_102 {strides = array<i32>} : memref<128xi32, #tpu.memory_space<vmem>>, vector<16xi32>,
      %get3A_103 = arith.constant 112 : index
      %get3A_104 = tpu.vector_load %arg9[%get3A_103] {strides = array<i32>} : memref<128xi32, #tpu.memory_space<vmem>>, vector<16xi32>,
      %get3A_105 = vector.shape_cast %get3A_104 : vector<16xi32> to vector<16xi32>
      %swap3A_106 = arith.constant 112 : index
      %swap3A_107 = tpu.vector_load %arg11[%swap3A_106] {strides = array<i32>} : memref<128xi32, #tpu.memory_space<vmem>>, vector<16xi32>,
      %swap3A_108 = vector.shape_cast %swap3A_107 : vector<16xi32> to vector<16xi32>
      %swap3A_109 = vector.shape_cast %get3A_105 : vector<16xi32> to vector<16xi32>
      tpu.vector_store %arg11[%swap3A_106], %swap3A_109 {strides = array<i32>} : memref<128xi32, #tpu.memory_space<vmem>>, vector<16xi32>,
      %dma_start3A_110 = arith.constant 0 : i32
      %dma_start3A_111 = arith.constant 0 : i32
      %dma_start3A_112 = tpu.memref_slice %arg2[%dma_start3A_110, %dma_start3A_111] : memref<20480x128xf32, #tpu.memory_space<hbm>> -> memref<20480x128xf32, #tpu.memory_space<hbm>>
      tpu.enqueue_indirect_dma source(%dma_start3A_112 : memref<20480x128xf32, #tpu.memory_space<hbm>>) target(%arg13 : memref<128x128xf32, #tpu.memory_space<vmem>>) offsets(%arg7 : memref<128xi32, #tpu.memory_space<vmem>>) semaphore(%arg16 : memref<!tpu.dma_semaphore, #tpu.memory_space<semaphore_mem>>)
      %dma_wait3A_113 = arith.constant 0 : i32
      %dma_wait3A_114 = arith.constant 0 : i32
      %dma_wait3A_115 = tpu.memref_slice %arg2[%dma_wait3A_113, %dma_wait3A_114] : memref<20480x128xf32, #tpu.memory_space<hbm>> -> memref<20480x128xf32, #tpu.memory_space<hbm>>
      tpu.wait_indirect_dma semaphore(%arg16 : memref<!tpu.dma_semaphore, #tpu.memory_space<semaphore_mem>>) src(%dma_wait3A_115 : memref<20480x128xf32, #tpu.memory_space<hbm>>) dst(%arg13 : memref<128x128xf32, #tpu.memory_space<vmem>>)
      %add3A_116 = arith.constant 2 : i32
      %add3A_117 = arith.addi %add3A_43, %add3A_116 : i32
      %lt3A = arith.constant 80 : i32
      %lt3A_118 = arith.cmpi slt, %add3A_117, %lt3A : i32
      %convert_element_type3A_119 = arith.extui %lt3A_118 : i1 to i32
      %cond3A_120 = arith.constant 0 : i32
      %cond3A_121 = arith.cmpi ne, %convert_element_type3A_119, %cond3A_120 : i32
      scf.if %cond3A_121 {
        %add3A_217 = arith.constant 2 : i32
        %add3A_218 = arith.addi %add3A_43, %add3A_217 : i32
        %mul3A_219 = arith.constant 128 : i32
        %mul3A_220 = arith.muli %add3A_218, %mul3A_219 : i32
        %add3A_221 = arith.addi %mul3A_2, %mul3A_220 : i32
        %dma_start3A_222 = tpu.memref_slice %arg3[%arg0, %add3A_221] : memref<2x163840xi32, #tpu.memory_space<hbm>> -> memref<1x128xi32, #tpu.memory_space<hbm>>
        %dma_start3A_223 = tpu.memref_squeeze %dma_start3A_222 : memref<1x128xi32, #tpu.memory_space<hbm>> -> memref<128xi32, #tpu.memory_space<hbm>>
        %dma_start3A_224 = tpu.memref_slice %arg3[%arg0, %add3A_221] : memref<2x163840xi32, #tpu.memory_space<hbm>> -> memref<1x128xi32, #tpu.memory_space<hbm>>
        %dma_start3A_225 = tpu.memref_squeeze %dma_start3A_224 : memref<1x128xi32, #tpu.memory_space<hbm>> -> memref<128xi32, #tpu.memory_space<hbm>>
        tpu.enqueue_dma source(%dma_start3A_225 : memref<128xi32, #tpu.memory_space<hbm>>) target(%arg7 : memref<128xi32, #tpu.memory_space<vmem>>) target_semaphore(%arg17 : memref<!tpu.dma_semaphore, #tpu.memory_space<semaphore_mem>>)
        %dma_start3A_226 = tpu.memref_slice %arg4[%add3A_221] : memref<163840xi32, #tpu.memory_space<hbm>> -> memref<128xi32, #tpu.memory_space<hbm>>
        %dma_start3A_227 = tpu.memref_slice %arg4[%add3A_221] : memref<163840xi32, #tpu.memory_space<hbm>> -> memref<128xi32, #tpu.memory_space<hbm>>
        tpu.enqueue_dma source(%dma_start3A_227 : memref<128xi32, #tpu.memory_space<hbm>>) target(%arg9 : memref<128xi32, #tpu.memory_space<vmem>>) target_semaphore(%arg17 : memref<!tpu.dma_semaphore, #tpu.memory_space<semaphore_mem>>)
      } else {
      }
      %dma_start3A_122 = arith.constant 0 : i32
      %dma_start3A_123 = arith.constant 0 : i32
      %dma_start3A_124 = tpu.memref_slice %arg15[%dma_start3A_122, %dma_start3A_123] : memref<10240x128xf32, #tpu.memory_space<vmem_shared>> -> memref<10240x128xf32, #tpu.memory_space<vmem_shared>>
      tpu.enqueue_indirect_dma source(%arg13 : memref<128x128xf32, #tpu.memory_space<vmem>>) target(%dma_start3A_124 : memref<10240x128xf32, #tpu.memory_space<vmem_shared>>) offsets(%arg11 : memref<128xi32, #tpu.memory_space<vmem>>) semaphore(%arg19 : memref<!tpu.dma_semaphore, #tpu.memory_space<semaphore_mem>>) {add = true}
      %mul3A_125 = arith.constant 2 : i32
      %mul3A_126 = arith.muli %mul3A_125, %scan3A_38 : i32
      %add3A_127 = arith.constant 1 : i32
      %add3A_128 = arith.addi %mul3A_126, %add3A_127 : i32
      %dma_wait3A_129 = arith.constant 0 : i32
      %dma_wait3A_130 = tpu.memref_slice %arg3[%arg0, %dma_wait3A_129] : memref<2x163840xi32, #tpu.memory_space<hbm>> -> memref<1x128xi32, #tpu.memory_space<hbm>>
      %dma_wait3A_131 = tpu.memref_squeeze %dma_wait3A_130 : memref<1x128xi32, #tpu.memory_space<hbm>> -> memref<128xi32, #tpu.memory_space<hbm>>
      %dma_wait3A_132 = arith.constant 0 : i32
      %dma_wait3A_133 = tpu.memref_slice %arg3[%arg0, %dma_wait3A_132] : memref<2x163840xi32, #tpu.memory_space<hbm>> -> memref<1x128xi32, #tpu.memory_space<hbm>>
      %dma_wait3A_134 = tpu.memref_squeeze %dma_wait3A_133 : memref<1x128xi32, #tpu.memory_space<hbm>> -> memref<128xi32, #tpu.memory_space<hbm>>
      tpu.wait_dma2 semaphore(%arg18 : memref<!tpu.dma_semaphore, #tpu.memory_space<semaphore_mem>>) src(%dma_wait3A_134 : memref<128xi32, #tpu.memory_space<hbm>>) dst(%arg8 : memref<128xi32, #tpu.memory_space<vmem>>)
      %dma_wait3A_135 = arith.constant 0 : i32
      %dma_wait3A_136 = tpu.memref_slice %arg4[%dma_wait3A_135] : memref<163840xi32, #tpu.memory_space<hbm>> -> memref<128xi32, #tpu.memory_space<hbm>>
      %dma_wait3A_137 = arith.constant 0 : i32
      %dma_wait3A_138 = tpu.memref_slice %arg4[%dma_wait3A_137] : memref<163840xi32, #tpu.memory_space<hbm>> -> memref<128xi32, #tpu.memory_space<hbm>>
      tpu.wait_dma2 semaphore(%arg18 : memref<!tpu.dma_semaphore, #tpu.memory_space<semaphore_mem>>) src(%dma_wait3A_138 : memref<128xi32, #tpu.memory_space<hbm>>) dst(%arg10 : memref<128xi32, #tpu.memory_space<vmem>>)
      %gt3A_139 = arith.constant 0 : i32
      %gt3A_140 = arith.cmpi sgt, %scan3A_38, %gt3A_139 : i32
      %convert_element_type3A_141 = arith.extui %gt3A_140 : i1 to i32
      %cond3A_142 = arith.constant 0 : i32
      %cond3A_143 = arith.cmpi ne, %convert_element_type3A_141, %cond3A_142 : i32
      scf.if %cond3A_143 {
        %dma_wait3A_217 = arith.constant 0 : i32
        %dma_wait3A_218 = arith.constant 0 : i32
        %dma_wait3A_219 = tpu.memref_slice %arg5[%dma_wait3A_217, %dma_wait3A_218] : memref<10240x128xf32, #tpu.memory_space<hbm>> -> memref<128x128xf32, #tpu.memory_space<hbm>>
        %dma_wait3A_220 = arith.constant 0 : i32
        %dma_wait3A_221 = arith.constant 0 : i32
        %dma_wait3A_222 = tpu.memref_slice %arg5[%dma_wait3A_220, %dma_wait3A_221] : memref<10240x128xf32, #tpu.memory_space<hbm>> -> memref<128x128xf32, #tpu.memory_space<hbm>>
        tpu.wait_dma2 semaphore(%arg20 : memref<!tpu.dma_semaphore, #tpu.memory_space<semaphore_mem>>) src(%dma_wait3A_222 : memref<128x128xf32, #tpu.memory_space<hbm>>) dst(%arg14 : memref<128x128xf32, #tpu.memory_space<vmem>>)
      } else {
      }
      %get3A_144 = arith.constant 0 : index
      %get3A_145 = tpu.vector_load %arg10[%get3A_144] {strides = array<i32>} : memref<128xi32, #tpu.memory_space<vmem>>, vector<16xi32>,
      %get3A_146 = vector.shape_cast %get3A_145 : vector<16xi32> to vector<16xi32>
      %swap3A_147 = arith.constant 0 : index
      %swap3A_148 = tpu.vector_load %arg12[%swap3A_147] {strides = array<i32>} : memref<128xi32, #tpu.memory_space<vmem>>, vector<16xi32>,
      %swap3A_149 = vector.shape_cast %swap3A_148 : vector<16xi32> to vector<16xi32>
      %swap3A_150 = vector.shape_cast %get3A_146 : vector<16xi32> to vector<16xi32>
      tpu.vector_store %arg12[%swap3A_147], %swap3A_150 {strides = array<i32>} : memref<128xi32, #tpu.memory_space<vmem>>, vector<16xi32>,
      %get3A_151 = arith.constant 16 : index
      %get3A_152 = tpu.vector_load %arg10[%get3A_151] {strides = array<i32>} : memref<128xi32, #tpu.memory_space<vmem>>, vector<16xi32>,
      %get3A_153 = vector.shape_cast %get3A_152 : vector<16xi32> to vector<16xi32>
      %swap3A_154 = arith.constant 16 : index
      %swap3A_155 = tpu.vector_load %arg12[%swap3A_154] {strides = array<i32>} : memref<128xi32, #tpu.memory_space<vmem>>, vector<16xi32>,
      %swap3A_156 = vector.shape_cast %swap3A_155 : vector<16xi32> to vector<16xi32>
      %swap3A_157 = vector.shape_cast %get3A_153 : vector<16xi32> to vector<16xi32>
      tpu.vector_store %arg12[%swap3A_154], %swap3A_157 {strides = array<i32>} : memref<128xi32, #tpu.memory_space<vmem>>, vector<16xi32>,
      %get3A_158 = arith.constant 32 : index
      %get3A_159 = tpu.vector_load %arg10[%get3A_158] {strides = array<i32>} : memref<128xi32, #tpu.memory_space<vmem>>, vector<16xi32>,
      %get3A_160 = vector.shape_cast %get3A_159 : vector<16xi32> to vector<16xi32>
      %swap3A_161 = arith.constant 32 : index
      %swap3A_162 = tpu.vector_load %arg12[%swap3A_161] {strides = array<i32>} : memref<128xi32, #tpu.memory_space<vmem>>, vector<16xi32>,
      %swap3A_163 = vector.shape_cast %swap3A_162 : vector<16xi32> to vector<16xi32>
      %swap3A_164 = vector.shape_cast %get3A_160 : vector<16xi32> to vector<16xi32>
      tpu.vector_store %arg12[%swap3A_161], %swap3A_164 {strides = array<i32>} : memref<128xi32, #tpu.memory_space<vmem>>, vector<16xi32>,
      %get3A_165 = arith.constant 48 : index
      %get3A_166 = tpu.vector_load %arg10[%get3A_165] {strides = array<i32>} : memref<128xi32, #tpu.memory_space<vmem>>, vector<16xi32>,
      %get3A_167 = vector.shape_cast %get3A_166 : vector<16xi32> to vector<16xi32>
      %swap3A_168 = arith.constant 48 : index
      %swap3A_169 = tpu.vector_load %arg12[%swap3A_168] {strides = array<i32>} : memref<128xi32, #tpu.memory_space<vmem>>, vector<16xi32>,
      %swap3A_170 = vector.shape_cast %swap3A_169 : vector<16xi32> to vector<16xi32>
      %swap3A_171 = vector.shape_cast %get3A_167 : vector<16xi32> to vector<16xi32>
      tpu.vector_store %arg12[%swap3A_168], %swap3A_171 {strides = array<i32>} : memref<128xi32, #tpu.memory_space<vmem>>, vector<16xi32>,
      %get3A_172 = arith.constant 64 : index
      %get3A_173 = tpu.vector_load %arg10[%get3A_172] {strides = array<i32>} : memref<128xi32, #tpu.memory_space<vmem>>, vector<16xi32>,
      %get3A_174 = vector.shape_cast %get3A_173 : vector<16xi32> to vector<16xi32>
      %swap3A_175 = arith.constant 64 : index
      %swap3A_176 = tpu.vector_load %arg12[%swap3A_175] {strides = array<i32>} : memref<128xi32, #tpu.memory_space<vmem>>, vector<16xi32>,
      %swap3A_177 = vector.shape_cast %swap3A_176 : vector<16xi32> to vector<16xi32>
      %swap3A_178 = vector.shape_cast %get3A_174 : vector<16xi32> to vector<16xi32>
      tpu.vector_store %arg12[%swap3A_175], %swap3A_178 {strides = array<i32>} : memref<128xi32, #tpu.memory_space<vmem>>, vector<16xi32>,
      %get3A_179 = arith.constant 80 : index
      %get3A_180 = tpu.vector_load %arg10[%get3A_179] {strides = array<i32>} : memref<128xi32, #tpu.memory_space<vmem>>, vector<16xi32>,
      %get3A_181 = vector.shape_cast %get3A_180 : vector<16xi32> to vector<16xi32>
      %swap3A_182 = arith.constant 80 : index
      %swap3A_183 = tpu.vector_load %arg12[%swap3A_182] {strides = array<i32>} : memref<128xi32, #tpu.memory_space<vmem>>, vector<16xi32>,
      %swap3A_184 = vector.shape_cast %swap3A_183 : vector<16xi32> to vector<16xi32>
      %swap3A_185 = vector.shape_cast %get3A_181 : vector<16xi32> to vector<16xi32>
      tpu.vector_store %arg12[%swap3A_182], %swap3A_185 {strides = array<i32>} : memref<128xi32, #tpu.memory_space<vmem>>, vector<16xi32>,
      %get3A_186 = arith.constant 96 : index
      %get3A_187 = tpu.vector_load %arg10[%get3A_186] {strides = array<i32>} : memref<128xi32, #tpu.memory_space<vmem>>, vector<16xi32>,
      %get3A_188 = vector.shape_cast %get3A_187 : vector<16xi32> to vector<16xi32>
      %swap3A_189 = arith.constant 96 : index
      %swap3A_190 = tpu.vector_load %arg12[%swap3A_189] {strides = array<i32>} : memref<128xi32, #tpu.memory_space<vmem>>, vector<16xi32>,
      %swap3A_191 = vector.shape_cast %swap3A_190 : vector<16xi32> to vector<16xi32>
      %swap3A_192 = vector.shape_cast %get3A_188 : vector<16xi32> to vector<16xi32>
      tpu.vector_store %arg12[%swap3A_189], %swap3A_192 {strides = array<i32>} : memref<128xi32, #tpu.memory_space<vmem>>, vector<16xi32>,
      %get3A_193 = arith.constant 112 : index
      %get3A_194 = tpu.vector_load %arg10[%get3A_193] {strides = array<i32>} : memref<128xi32, #tpu.memory_space<vmem>>, vector<16xi32>,
      %get3A_195 = vector.shape_cast %get3A_194 : vector<16xi32> to vector<16xi32>
      %swap3A_196 = arith.constant 112 : index
      %swap3A_197 = tpu.vector_load %arg12[%swap3A_196] {strides = array<i32>} : memref<128xi32, #tpu.memory_space<vmem>>, vector<16xi32>,
      %swap3A_198 = vector.shape_cast %swap3A_197 : vector<16xi32> to vector<16xi32>
      %swap3A_199 = vector.shape_cast %get3A_195 : vector<16xi32> to vector<16xi32>
      tpu.vector_store %arg12[%swap3A_196], %swap3A_199 {strides = array<i32>} : memref<128xi32, #tpu.memory_space<vmem>>, vector<16xi32>,
      %dma_start3A_200 = arith.constant 0 : i32
      %dma_start3A_201 = arith.constant 0 : i32
      %dma_start3A_202 = tpu.memref_slice %arg2[%dma_start3A_200, %dma_start3A_201] : memref<20480x128xf32, #tpu.memory_space<hbm>> -> memref<20480x128xf32, #tpu.memory_space<hbm>>
      tpu.enqueue_indirect_dma source(%dma_start3A_202 : memref<20480x128xf32, #tpu.memory_space<hbm>>) target(%arg14 : memref<128x128xf32, #tpu.memory_space<vmem>>) offsets(%arg8 : memref<128xi32, #tpu.memory_space<vmem>>) semaphore(%arg16 : memref<!tpu.dma_semaphore, #tpu.memory_space<semaphore_mem>>)
      %dma_wait3A_203 = arith.constant 0 : i32
      %dma_wait3A_204 = arith.constant 0 : i32
      %dma_wait3A_205 = tpu.memref_slice %arg2[%dma_wait3A_203, %dma_wait3A_204] : memref<20480x128xf32, #tpu.memory_space<hbm>> -> memref<20480x128xf32, #tpu.memory_space<hbm>>
      tpu.wait_indirect_dma semaphore(%arg16 : memref<!tpu.dma_semaphore, #tpu.memory_space<semaphore_mem>>) src(%dma_wait3A_205 : memref<20480x128xf32, #tpu.memory_space<hbm>>) dst(%arg14 : memref<128x128xf32, #tpu.memory_space<vmem>>)
      %add3A_206 = arith.constant 2 : i32
      %add3A_207 = arith.addi %add3A_128, %add3A_206 : i32
      %lt3A_208 = arith.constant 80 : i32
      %lt3A_209 = arith.cmpi slt, %add3A_207, %lt3A_208 : i32
      %convert_element_type3A_210 = arith.extui %lt3A_209 : i1 to i32
      %cond3A_211 = arith.constant 0 : i32
      %cond3A_212 = arith.cmpi ne, %convert_element_type3A_210, %cond3A_211 : i32
      scf.if %cond3A_212 {
        %add3A_217 = arith.constant 2 : i32
        %add3A_218 = arith.addi %add3A_128, %add3A_217 : i32
        %mul3A_219 = arith.constant 128 : i32
        %mul3A_220 = arith.muli %add3A_218, %mul3A_219 : i32
        %add3A_221 = arith.addi %mul3A_2, %mul3A_220 : i32
        %dma_start3A_222 = tpu.memref_slice %arg3[%arg0, %add3A_221] : memref<2x163840xi32, #tpu.memory_space<hbm>> -> memref<1x128xi32, #tpu.memory_space<hbm>>
        %dma_start3A_223 = tpu.memref_squeeze %dma_start3A_222 : memref<1x128xi32, #tpu.memory_space<hbm>> -> memref<128xi32, #tpu.memory_space<hbm>>
        %dma_start3A_224 = tpu.memref_slice %arg3[%arg0, %add3A_221] : memref<2x163840xi32, #tpu.memory_space<hbm>> -> memref<1x128xi32, #tpu.memory_space<hbm>>
        %dma_start3A_225 = tpu.memref_squeeze %dma_start3A_224 : memref<1x128xi32, #tpu.memory_space<hbm>> -> memref<128xi32, #tpu.memory_space<hbm>>
        tpu.enqueue_dma source(%dma_start3A_225 : memref<128xi32, #tpu.memory_space<hbm>>) target(%arg8 : memref<128xi32, #tpu.memory_space<vmem>>) target_semaphore(%arg18 : memref<!tpu.dma_semaphore, #tpu.memory_space<semaphore_mem>>)
        %dma_start3A_226 = tpu.memref_slice %arg4[%add3A_221] : memref<163840xi32, #tpu.memory_space<hbm>> -> memref<128xi32, #tpu.memory_space<hbm>>
        %dma_start3A_227 = tpu.memref_slice %arg4[%add3A_221] : memref<163840xi32, #tpu.memory_space<hbm>> -> memref<128xi32, #tpu.memory_space<hbm>>
        tpu.enqueue_dma source(%dma_start3A_227 : memref<128xi32, #tpu.memory_space<hbm>>) target(%arg10 : memref<128xi32, #tpu.memory_space<vmem>>) target_semaphore(%arg18 : memref<!tpu.dma_semaphore, #tpu.memory_space<semaphore_mem>>)
      } else {
      }
      %dma_start3A_213 = arith.constant 0 : i32
      %dma_start3A_214 = arith.constant 0 : i32
      %dma_start3A_215 = tpu.memref_slice %arg15[%dma_start3A_213, %dma_start3A_214] : memref<10240x128xf32, #tpu.memory_space<vmem_shared>> -> memref<10240x128xf32, #tpu.memory_space<vmem_shared>>
      tpu.enqueue_indirect_dma source(%arg14 : memref<128x128xf32, #tpu.memory_space<vmem>>) target(%dma_start3A_215 : memref<10240x128xf32, #tpu.memory_space<vmem_shared>>) offsets(%arg12 : memref<128xi32, #tpu.memory_space<vmem>>) semaphore(%arg20 : memref<!tpu.dma_semaphore, #tpu.memory_space<semaphore_mem>>) {add = true}
      %scan3A_216 = arith.constant 0 : i32
      scf.yield %scan3A_216 : i32
    }
    %scan3A_22 = arith.constant 40 : i32
    %dma_wait3A = arith.constant 0 : i32
    %dma_wait3A_23 = arith.constant 0 : i32
    %dma_wait3A_24 = tpu.memref_slice %arg5[%dma_wait3A, %dma_wait3A_23] : memref<10240x128xf32, #tpu.memory_space<hbm>> -> memref<128x128xf32, #tpu.memory_space<hbm>>
    %dma_wait3A_25 = arith.constant 0 : i32
    %dma_wait3A_26 = arith.constant 0 : i32
    %dma_wait3A_27 = tpu.memref_slice %arg5[%dma_wait3A_25, %dma_wait3A_26] : memref<10240x128xf32, #tpu.memory_space<hbm>> -> memref<128x128xf32, #tpu.memory_space<hbm>>
    tpu.wait_dma2 semaphore(%arg19 : memref<!tpu.dma_semaphore, #tpu.memory_space<semaphore_mem>>) src(%dma_wait3A_27 : memref<128x128xf32, #tpu.memory_space<hbm>>) dst(%arg13 : memref<128x128xf32, #tpu.memory_space<vmem>>)
    %dma_wait3A_28 = arith.constant 0 : i32
    %dma_wait3A_29 = arith.constant 0 : i32
    %dma_wait3A_30 = tpu.memref_slice %arg5[%dma_wait3A_28, %dma_wait3A_29] : memref<10240x128xf32, #tpu.memory_space<hbm>> -> memref<128x128xf32, #tpu.memory_space<hbm>>
    %dma_wait3A_31 = arith.constant 0 : i32
    %dma_wait3A_32 = arith.constant 0 : i32
    %dma_wait3A_33 = tpu.memref_slice %arg5[%dma_wait3A_31, %dma_wait3A_32] : memref<10240x128xf32, #tpu.memory_space<hbm>> -> memref<128x128xf32, #tpu.memory_space<hbm>>
    tpu.wait_dma2 semaphore(%arg20 : memref<!tpu.dma_semaphore, #tpu.memory_space<semaphore_mem>>) src(%dma_wait3A_33 : memref<128x128xf32, #tpu.memory_space<hbm>>) dst(%arg14 : memref<128x128xf32, #tpu.memory_space<vmem>>)
    %barrier3A_34 = arith.constant 0 : index
    tpu.barrier barrier_id(%barrier3A_34)
    %mul3A_35 = arith.constant 10240 : i32
    %mul3A_36 = arith.muli %arg0, %mul3A_35 : i32
    %add3A_37 = arith.addi %mul3A_36, %mul3A_0 : i32
    "tpu.region"() ({
      %run_scoped3A = tpu.sem_alloc : memref<!tpu.dma_semaphore, #tpu.memory_space<semaphore_mem>>
      %dma_start3A_38 = arith.constant 0 : i32
      %dma_start3A_39 = tpu.memref_slice %arg6[%add3A_37, %dma_start3A_38] : memref<20480x128xf32, #tpu.memory_space<hbm>> -> memref<640x128xf32, #tpu.memory_space<hbm>>
      %dma_start3A_40 = arith.constant 0 : i32
      %dma_start3A_41 = tpu.memref_slice %arg15[%mul3A_0, %dma_start3A_40] : memref<10240x128xf32, #tpu.memory_space<vmem_shared>> -> memref<640x128xf32, #tpu.memory_space<vmem_shared>>
      tpu.enqueue_dma source(%dma_start3A_41 : memref<640x128xf32, #tpu.memory_space<vmem_shared>>) target(%dma_start3A_39 : memref<640x128xf32, #tpu.memory_space<hbm>>) target_semaphore(%run_scoped3A : memref<!tpu.dma_semaphore, #tpu.memory_space<semaphore_mem>>)
      %dma_wait3A_42 = arith.constant 0 : i32
      %dma_wait3A_43 = tpu.memref_slice %arg6[%add3A_37, %dma_wait3A_42] : memref<20480x128xf32, #tpu.memory_space<hbm>> -> memref<640x128xf32, #tpu.memory_space<hbm>>
      %dma_wait3A_44 = arith.constant 0 : i32
      %dma_wait3A_45 = tpu.memref_slice %arg15[%mul3A_0, %dma_wait3A_44] : memref<10240x128xf32, #tpu.memory_space<vmem_shared>> -> memref<640x128xf32, #tpu.memory_space<vmem_shared>>
      tpu.wait_dma2 semaphore(%run_scoped3A : memref<!tpu.dma_semaphore, #tpu.memory_space<semaphore_mem>>) src(%dma_wait3A_45 : memref<640x128xf32, #tpu.memory_space<vmem_shared>>) dst(%dma_wait3A_43 : memref<640x128xf32, #tpu.memory_space<hbm>>)
      tpu.yield
    }) : () -> ()
    return
  }
}

#map = affine_map<(d0, d1) -> (0, 0)>
#map1 = affine_map<(d0, d1) -> (0)>
module attributes {stable_mosaic.version = 14 : i64} {
  func.func @_spmm_kernel(%arg0: i32, %arg1: i32, %arg2: memref<20480x128xf32, #tpu.memory_space<hbm>>, %arg3: memref<2x163840xi32, #tpu.memory_space<hbm>>, %arg4: memref<163840xi32, #tpu.memory_space<hbm>>, %arg5: memref<10240x128xf32, #tpu.memory_space<hbm>>, %arg6: memref<20480x128xf32, #tpu.memory_space<hbm>>, %arg7: memref<128xi32, #tpu.memory_space<vmem>>, %arg8: memref<128xi32, #tpu.memory_space<vmem>>, %arg9: memref<128xi32, #tpu.memory_space<vmem>>, %arg10: memref<128xi32, #tpu.memory_space<vmem>>, %arg11: memref<128xi32, #tpu.memory_space<vmem>>, %arg12: memref<128xi32, #tpu.memory_space<vmem>>, %arg13: memref<128x128xf32, #tpu.memory_space<vmem>>, %arg14: memref<128x128xf32, #tpu.memory_space<vmem>>, %arg15: memref<10240x128xf32, #tpu.memory_space<vmem_shared>>, %arg16: memref<!tpu.dma_semaphore, #tpu.memory_space<semaphore_mem>>, %arg17: memref<!tpu.dma_semaphore, #tpu.memory_space<semaphore_mem>>, %arg18: memref<!tpu.dma_semaphore, #tpu.memory_space<semaphore_mem>>, %arg19: memref<!tpu.dma_semaphore, #tpu.memory_space<semaphore_mem>>, %arg20: memref<!tpu.dma_semaphore, #tpu.memory_space<semaphore_mem>>) attributes {dimension_semantics = [#tpu.dimension_semantics<core_parallel>, #tpu.dimension_semantics<subcore_parallel>], iteration_bounds = array<i64: 2, 16>, scalar_prefetch = 0 : i64, scratch_operands = 14 : i64, tpu.core_type = #tpu.core_type<sc_vector_subcore>, window_params = [{transform_indices = #map}, {transform_indices = #map}, {transform_indices = #map1}, {transform_indices = #map}, {transform_indices = #map}]} {
    %mul3A = arith.constant 640 : i32
    %mul3A_0 = arith.muli %arg1, %mul3A : i32
    "tpu.region"() ({
      %run_scoped3A = tpu.sem_alloc : memref<!tpu.dma_semaphore, #tpu.memory_space<semaphore_mem>>
      %dma_start3A_38 = arith.constant 0 : i32
      %dma_start3A_39 = tpu.memref_slice %arg15[%mul3A_0, %dma_start3A_38] : memref<10240x128xf32, #tpu.memory_space<vmem_shared>> -> memref<640x128xf32, #tpu.memory_space<vmem_shared>>
      %dma_start3A_40 = arith.constant 0 : i32
      %dma_start3A_41 = tpu.memref_slice %arg5[%mul3A_0, %dma_start3A_40] : memref<10240x128xf32, #tpu.memory_space<hbm>> -> memref<640x128xf32, #tpu.memory_space<hbm>>
      tpu.enqueue_dma source(%dma_start3A_41 : memref<640x128xf32, #tpu.memory_space<hbm>>) target(%dma_start3A_39 : memref<640x128xf32, #tpu.memory_space<vmem_shared>>) target_semaphore(%run_scoped3A : memref<!tpu.dma_semaphore, #tpu.memory_space<semaphore_mem>>)
      %dma_wait3A_42 = arith.constant 0 : i32
      %dma_wait3A_43 = tpu.memref_slice %arg15[%mul3A_0, %dma_wait3A_42] : memref<10240x128xf32, #tpu.memory_space<vmem_shared>> -> memref<640x128xf32, #tpu.memory_space<vmem_shared>>
      %dma_wait3A_44 = arith.constant 0 : i32
      %dma_wait3A_45 = tpu.memref_slice %arg5[%mul3A_0, %dma_wait3A_44] : memref<10240x128xf32, #tpu.memory_space<hbm>> -> memref<640x128xf32, #tpu.memory_space<hbm>>
      tpu.wait_dma2 semaphore(%run_scoped3A : memref<!tpu.dma_semaphore, #tpu.memory_space<semaphore_mem>>) src(%dma_wait3A_45 : memref<640x128xf32, #tpu.memory_space<hbm>>) dst(%dma_wait3A_43 : memref<640x128xf32, #tpu.memory_space<vmem_shared>>)
      tpu.yield
    }) : () -> ()
    %barrier3A = arith.constant 0 : index
    tpu.barrier barrier_id(%barrier3A)
    %mul3A_1 = arith.constant 10240 : i32
    %mul3A_2 = arith.muli %arg1, %mul3A_1 : i32
    %add3A = arith.constant 0 : i32
    %add3A_3 = arith.addi %mul3A_2, %add3A : i32
    %dma_start3A = tpu.memref_slice %arg3[%arg0, %add3A_3] : memref<2x163840xi32, #tpu.memory_space<hbm>> -> memref<1x128xi32, #tpu.memory_space<hbm>>
    %dma_start3A_4 = tpu.memref_squeeze %dma_start3A : memref<1x128xi32, #tpu.memory_space<hbm>> -> memref<128xi32, #tpu.memory_space<hbm>>
    %dma_start3A_5 = tpu.memref_slice %arg3[%arg0, %add3A_3] : memref<2x163840xi32, #tpu.memory_space<hbm>> -> memref<1x128xi32, #tpu.memory_space<hbm>>
    %dma_start3A_6 = tpu.memref_squeeze %dma_start3A_5 : memref<1x128xi32, #tpu.memory_space<hbm>> -> memref<128xi32, #tpu.memory_space<hbm>>
    tpu.enqueue_dma source(%dma_start3A_6 : memref<128xi32, #tpu.memory_space<hbm>>) target(%arg7 : memref<128xi32, #tpu.memory_space<vmem>>) target_semaphore(%arg17 : memref<!tpu.dma_semaphore, #tpu.memory_space<semaphore_mem>>)
    %dma_start3A_7 = tpu.memref_slice %arg4[%add3A_3] : memref<163840xi32, #tpu.memory_space<hbm>> -> memref<128xi32, #tpu.memory_space<hbm>>
    %dma_start3A_8 = tpu.memref_slice %arg4[%add3A_3] : memref<163840xi32, #tpu.memory_space<hbm>> -> memref<128xi32, #tpu.memory_space<hbm>>
    tpu.enqueue_dma source(%dma_start3A_8 : memref<128xi32, #tpu.memory_space<hbm>>) target(%arg9 : memref<128xi32, #tpu.memory_space<vmem>>) target_semaphore(%arg17 : memref<!tpu.dma_semaphore, #tpu.memory_space<semaphore_mem>>)
    %add3A_9 = arith.constant 128 : i32
    %add3A_10 = arith.addi %mul3A_2, %add3A_9 : i32
    %dma_start3A_11 = tpu.memref_slice %arg3[%arg0, %add3A_10] : memref<2x163840xi32, #tpu.memory_space<hbm>> -> memref<1x128xi32, #tpu.memory_space<hbm>>
    %dma_start3A_12 = tpu.memref_squeeze %dma_start3A_11 : memref<1x128xi32, #tpu.memory_space<hbm>> -> memref<128xi32, #tpu.memory_space<hbm>>
    %dma_start3A_13 = tpu.memref_slice %arg3[%arg0, %add3A_10] : memref<2x163840xi32, #tpu.memory_space<hbm>> -> memref<1x128xi32, #tpu.memory_space<hbm>>
    %dma_start3A_14 = tpu.memref_squeeze %dma_start3A_13 : memref<1x128xi32, #tpu.memory_space<hbm>> -> memref<128xi32, #tpu.memory_space<hbm>>
    tpu.enqueue_dma source(%dma_start3A_14 : memref<128xi32, #tpu.memory_space<hbm>>) target(%arg8 : memref<128xi32, #tpu.memory_space<vmem>>) target_semaphore(%arg18 : memref<!tpu.dma_semaphore, #tpu.memory_space<semaphore_mem>>)
    %dma_start3A_15 = tpu.memref_slice %arg4[%add3A_10] : memref<163840xi32, #tpu.memory_space<hbm>> -> memref<128xi32, #tpu.memory_space<hbm>>
    %dma_start3A_16 = tpu.memref_slice %arg4[%add3A_10] : memref<163840xi32, #tpu.memory_space<hbm>> -> memref<128xi32, #tpu.memory_space<hbm>>
    tpu.enqueue_dma source(%dma_start3A_16 : memref<128xi32, #tpu.memory_space<hbm>>) target(%arg10 : memref<128xi32, #tpu.memory_space<vmem>>) target_semaphore(%arg18 : memref<!tpu.dma_semaphore, #tpu.memory_space<semaphore_mem>>)
    %scan3A = arith.constant 0 : i32
    %scan3A_17 = arith.constant 0 : i32
    %scan3A_18 = arith.constant 40 : i32
    %scan3A_19 = arith.addi %scan3A_17, %scan3A_18 : i32
    %scan3A_20 = arith.constant 1 : i32
    %scan3A_21 = scf.for %scan3A_38 = %scan3A_17 to %scan3A_19 step %scan3A_20 iter_args(%scan3A_39 = %scan3A) -> (i32)  : i32 {
      %mul3A_40 = arith.constant 2 : i32
      %mul3A_41 = arith.muli %mul3A_40, %scan3A_38 : i32
      %add3A_42 = arith.constant 0 : i32
      %add3A_43 = arith.addi %mul3A_41, %add3A_42 : i32
      %dma_wait3A_44 = arith.constant 0 : i32
      %dma_wait3A_45 = tpu.memref_slice %arg3[%arg0, %dma_wait3A_44] : memref<2x163840xi32, #tpu.memory_space<hbm>> -> memref<1x128xi32, #tpu.memory_space<hbm>>
      %dma_wait3A_46 = tpu.memref_squeeze %dma_wait3A_45 : memref<1x128xi32, #tpu.memory_space<hbm>> -> memref<128xi32, #tpu.memory_space<hbm>>
      %dma_wait3A_47 = arith.constant 0 : i32
      %dma_wait3A_48 = tpu.memref_slice %arg3[%arg0, %dma_wait3A_47] : memref<2x163840xi32, #tpu.memory_space<hbm>> -> memref<1x128xi32, #tpu.memory_space<hbm>>
      %dma_wait3A_49 = tpu.memref_squeeze %dma_wait3A_48 : memref<1x128xi32, #tpu.memory_space<hbm>> -> memref<128xi32, #tpu.memory_space<hbm>>
      tpu.wait_dma2 semaphore(%arg17 : memref<!tpu.dma_semaphore, #tpu.memory_space<semaphore_mem>>) src(%dma_wait3A_49 : memref<128xi32, #tpu.memory_space<hbm>>) dst(%arg7 : memref<128xi32, #tpu.memory_space<vmem>>)
      %dma_wait3A_50 = arith.constant 0 : i32
      %dma_wait3A_51 = tpu.memref_slice %arg4[%dma_wait3A_50] : memref<163840xi32, #tpu.memory_space<hbm>> -> memref<128xi32, #tpu.memory_space<hbm>>
      %dma_wait3A_52 = arith.constant 0 : i32
      %dma_wait3A_53 = tpu.memref_slice %arg4[%dma_wait3A_52] : memref<163840xi32, #tpu.memory_space<hbm>> -> memref<128xi32, #tpu.memory_space<hbm>>
      tpu.wait_dma2 semaphore(%arg17 : memref<!tpu.dma_semaphore, #tpu.memory_space<semaphore_mem>>) src(%dma_wait3A_53 : memref<128xi32, #tpu.memory_space<hbm>>) dst(%arg9 : memref<128xi32, #tpu.memory_space<vmem>>)
      %gt3A = arith.constant 0 : i32
      %gt3A_54 = arith.cmpi sgt, %scan3A_38, %gt3A : i32
      %convert_element_type3A = arith.extui %gt3A_54 : i1 to i32
      %cond3A = arith.constant 0 : i32
      %cond3A_55 = arith.cmpi ne, %convert_element_type3A, %cond3A : i32
      scf.if %cond3A_55 {
        %dma_wait3A_217 = arith.constant 0 : i32
        %dma_wait3A_218 = arith.constant 0 : i32
        %dma_wait3A_219 = tpu.memref_slice %arg5[%dma_wait3A_217, %dma_wait3A_218] : memref<10240x128xf32, #tpu.memory_space<hbm>> -> memref<128x128xf32, #tpu.memory_space<hbm>>
        %dma_wait3A_220 = arith.constant 0 : i32
        %dma_wait3A_221 = arith.constant 0 : i32
        %dma_wait3A_222 = tpu.memref_slice %arg5[%dma_wait3A_220, %dma_wait3A_221] : memref<10240x128xf32, #tpu.memory_space<hbm>> -> memref<128x128xf32, #tpu.memory_space<hbm>>
        tpu.wait_dma2 semaphore(%arg19 : memref<!tpu.dma_semaphore, #tpu.memory_space<semaphore_mem>>) src(%dma_wait3A_222 : memref<128x128xf32, #tpu.memory_space<hbm>>) dst(%arg13 : memref<128x128xf32, #tpu.memory_space<vmem>>)
      } else {
      }
      %get3A = arith.constant 0 : index
      %get3A_56 = tpu.vector_load %arg9[%get3A] {strides = array<i32>} : memref<128xi32, #tpu.memory_space<vmem>>, vector<16xi32>,
      %get3A_57 = vector.shape_cast %get3A_56 : vector<16xi32> to vector<16xi32>
      %swap3A = arith.constant 0 : index
      %swap3A_58 = tpu.vector_load %arg11[%swap3A] {strides = array<i32>} : memref<128xi32, #tpu.memory_space<vmem>>, vector<16xi32>,
      %swap3A_59 = vector.shape_cast %swap3A_58 : vector<16xi32> to vector<16xi32>
      %swap3A_60 = vector.shape_cast %get3A_57 : vector<16xi32> to vector<16xi32>
      tpu.vector_store %arg11[%swap3A], %swap3A_60 {strides = array<i32>} : memref<128xi32, #tpu.memory_space<vmem>>, vector<16xi32>,
      %get3A_61 = arith.constant 16 : index
      %get3A_62 = tpu.vector_load %arg9[%get3A_61] {strides = array<i32>} : memref<128xi32, #tpu.memory_space<vmem>>, vector<16xi32>,
      %get3A_63 = vector.shape_cast %get3A_62 : vector<16xi32> to vector<16xi32>
      %swap3A_64 = arith.constant 16 : index
      %swap3A_65 = tpu.vector_load %arg11[%swap3A_64] {strides = array<i32>} : memref<128xi32, #tpu.memory_space<vmem>>, vector<16xi32>,
      %swap3A_66 = vector.shape_cast %swap3A_65 : vector<16xi32> to vector<16xi32>
      %swap3A_67 = vector.shape_cast %get3A_63 : vector<16xi32> to vector<16xi32>
      tpu.vector_store %arg11[%swap3A_64], %swap3A_67 {strides = array<i32>} : memref<128xi32, #tpu.memory_space<vmem>>, vector<16xi32>,
      %get3A_68 = arith.constant 32 : index
      %get3A_69 = tpu.vector_load %arg9[%get3A_68] {strides = array<i32>} : memref<128xi32, #tpu.memory_space<vmem>>, vector<16xi32>,
      %get3A_70 = vector.shape_cast %get3A_69 : vector<16xi32> to vector<16xi32>
      %swap3A_71 = arith.constant 32 : index
      %swap3A_72 = tpu.vector_load %arg11[%swap3A_71] {strides = array<i32>} : memref<128xi32, #tpu.memory_space<vmem>>, vector<16xi32>,
      %swap3A_73 = vector.shape_cast %swap3A_72 : vector<16xi32> to vector<16xi32>
      %swap3A_74 = vector.shape_cast %get3A_70 : vector<16xi32> to vector<16xi32>
      tpu.vector_store %arg11[%swap3A_71], %swap3A_74 {strides = array<i32>} : memref<128xi32, #tpu.memory_space<vmem>>, vector<16xi32>,
      %get3A_75 = arith.constant 48 : index
      %get3A_76 = tpu.vector_load %arg9[%get3A_75] {strides = array<i32>} : memref<128xi32, #tpu.memory_space<vmem>>, vector<16xi32>,
      %get3A_77 = vector.shape_cast %get3A_76 : vector<16xi32> to vector<16xi32>
      %swap3A_78 = arith.constant 48 : index
      %swap3A_79 = tpu.vector_load %arg11[%swap3A_78] {strides = array<i32>} : memref<128xi32, #tpu.memory_space<vmem>>, vector<16xi32>,
      %swap3A_80 = vector.shape_cast %swap3A_79 : vector<16xi32> to vector<16xi32>
      %swap3A_81 = vector.shape_cast %get3A_77 : vector<16xi32> to vector<16xi32>
      tpu.vector_store %arg11[%swap3A_78], %swap3A_81 {strides = array<i32>} : memref<128xi32, #tpu.memory_space<vmem>>, vector<16xi32>,
      %get3A_82 = arith.constant 64 : index
      %get3A_83 = tpu.vector_load %arg9[%get3A_82] {strides = array<i32>} : memref<128xi32, #tpu.memory_space<vmem>>, vector<16xi32>,
      %get3A_84 = vector.shape_cast %get3A_83 : vector<16xi32> to vector<16xi32>
      %swap3A_85 = arith.constant 64 : index
      %swap3A_86 = tpu.vector_load %arg11[%swap3A_85] {strides = array<i32>} : memref<128xi32, #tpu.memory_space<vmem>>, vector<16xi32>,
      %swap3A_87 = vector.shape_cast %swap3A_86 : vector<16xi32> to vector<16xi32>
      %swap3A_88 = vector.shape_cast %get3A_84 : vector<16xi32> to vector<16xi32>
      tpu.vector_store %arg11[%swap3A_85], %swap3A_88 {strides = array<i32>} : memref<128xi32, #tpu.memory_space<vmem>>, vector<16xi32>,
      %get3A_89 = arith.constant 80 : index
      %get3A_90 = tpu.vector_load %arg9[%get3A_89] {strides = array<i32>} : memref<128xi32, #tpu.memory_space<vmem>>, vector<16xi32>,
      %get3A_91 = vector.shape_cast %get3A_90 : vector<16xi32> to vector<16xi32>
      %swap3A_92 = arith.constant 80 : index
      %swap3A_93 = tpu.vector_load %arg11[%swap3A_92] {strides = array<i32>} : memref<128xi32, #tpu.memory_space<vmem>>, vector<16xi32>,
      %swap3A_94 = vector.shape_cast %swap3A_93 : vector<16xi32> to vector<16xi32>
      %swap3A_95 = vector.shape_cast %get3A_91 : vector<16xi32> to vector<16xi32>
      tpu.vector_store %arg11[%swap3A_92], %swap3A_95 {strides = array<i32>} : memref<128xi32, #tpu.memory_space<vmem>>, vector<16xi32>,
      %get3A_96 = arith.constant 96 : index
      %get3A_97 = tpu.vector_load %arg9[%get3A_96] {strides = array<i32>} : memref<128xi32, #tpu.memory_space<vmem>>, vector<16xi32>,
      %get3A_98 = vector.shape_cast %get3A_97 : vector<16xi32> to vector<16xi32>
      %swap3A_99 = arith.constant 96 : index
      %swap3A_100 = tpu.vector_load %arg11[%swap3A_99] {strides = array<i32>} : memref<128xi32, #tpu.memory_space<vmem>>, vector<16xi32>,
      %swap3A_101 = vector.shape_cast %swap3A_100 : vector<16xi32> to vector<16xi32>
      %swap3A_102 = vector.shape_cast %get3A_98 : vector<16xi32> to vector<16xi32>
      tpu.vector_store %arg11[%swap3A_99], %swap3A_102 {strides = array<i32>} : memref<128xi32, #tpu.memory_space<vmem>>, vector<16xi32>,
      %get3A_103 = arith.constant 112 : index
      %get3A_104 = tpu.vector_load %arg9[%get3A_103] {strides = array<i32>} : memref<128xi32, #tpu.memory_space<vmem>>, vector<16xi32>,
      %get3A_105 = vector.shape_cast %get3A_104 : vector<16xi32> to vector<16xi32>
      %swap3A_106 = arith.constant 112 : index
      %swap3A_107 = tpu.vector_load %arg11[%swap3A_106] {strides = array<i32>} : memref<128xi32, #tpu.memory_space<vmem>>, vector<16xi32>,
      %swap3A_108 = vector.shape_cast %swap3A_107 : vector<16xi32> to vector<16xi32>
      %swap3A_109 = vector.shape_cast %get3A_105 : vector<16xi32> to vector<16xi32>
      tpu.vector_store %arg11[%swap3A_106], %swap3A_109 {strides = array<i32>} : memref<128xi32, #tpu.memory_space<vmem>>, vector<16xi32>,
      %dma_start3A_110 = arith.constant 0 : i32
      %dma_start3A_111 = arith.constant 0 : i32
      %dma_start3A_112 = tpu.memref_slice %arg2[%dma_start3A_110, %dma_start3A_111] : memref<20480x128xf32, #tpu.memory_space<hbm>> -> memref<20480x128xf32, #tpu.memory_space<hbm>>
      tpu.enqueue_indirect_dma source(%dma_start3A_112 : memref<20480x128xf32, #tpu.memory_space<hbm>>) target(%arg13 : memref<128x128xf32, #tpu.memory_space<vmem>>) offsets(%arg7 : memref<128xi32, #tpu.memory_space<vmem>>) semaphore(%arg16 : memref<!tpu.dma_semaphore, #tpu.memory_space<semaphore_mem>>)
      %dma_wait3A_113 = arith.constant 0 : i32
      %dma_wait3A_114 = arith.constant 0 : i32
      %dma_wait3A_115 = tpu.memref_slice %arg2[%dma_wait3A_113, %dma_wait3A_114] : memref<20480x128xf32, #tpu.memory_space<hbm>> -> memref<20480x128xf32, #tpu.memory_space<hbm>>
      tpu.wait_indirect_dma semaphore(%arg16 : memref<!tpu.dma_semaphore, #tpu.memory_space<semaphore_mem>>) src(%dma_wait3A_115 : memref<20480x128xf32, #tpu.memory_space<hbm>>) dst(%arg13 : memref<128x128xf32, #tpu.memory_space<vmem>>)
      %add3A_116 = arith.constant 2 : i32
      %add3A_117 = arith.addi %add3A_43, %add3A_116 : i32
      %lt3A = arith.constant 80 : i32
      %lt3A_118 = arith.cmpi slt, %add3A_117, %lt3A : i32
      %convert_element_type3A_119 = arith.extui %lt3A_118 : i1 to i32
      %cond3A_120 = arith.constant 0 : i32
      %cond3A_121 = arith.cmpi ne, %convert_element_type3A_119, %cond3A_120 : i32
      scf.if %cond3A_121 {
        %add3A_217 = arith.constant 2 : i32
        %add3A_218 = arith.addi %add3A_43, %add3A_217 : i32
        %mul3A_219 = arith.constant 128 : i32
        %mul3A_220 = arith.muli %add3A_218, %mul3A_219 : i32
        %add3A_221 = arith.addi %mul3A_2, %mul3A_220 : i32
        %dma_start3A_222 = tpu.memref_slice %arg3[%arg0, %add3A_221] : memref<2x163840xi32, #tpu.memory_space<hbm>> -> memref<1x128xi32, #tpu.memory_space<hbm>>
        %dma_start3A_223 = tpu.memref_squeeze %dma_start3A_222 : memref<1x128xi32, #tpu.memory_space<hbm>> -> memref<128xi32, #tpu.memory_space<hbm>>
        %dma_start3A_224 = tpu.memref_slice %arg3[%arg0, %add3A_221] : memref<2x163840xi32, #tpu.memory_space<hbm>> -> memref<1x128xi32, #tpu.memory_space<hbm>>
        %dma_start3A_225 = tpu.memref_squeeze %dma_start3A_224 : memref<1x128xi32, #tpu.memory_space<hbm>> -> memref<128xi32, #tpu.memory_space<hbm>>
        tpu.enqueue_dma source(%dma_start3A_225 : memref<128xi32, #tpu.memory_space<hbm>>) target(%arg7 : memref<128xi32, #tpu.memory_space<vmem>>) target_semaphore(%arg17 : memref<!tpu.dma_semaphore, #tpu.memory_space<semaphore_mem>>)
        %dma_start3A_226 = tpu.memref_slice %arg4[%add3A_221] : memref<163840xi32, #tpu.memory_space<hbm>> -> memref<128xi32, #tpu.memory_space<hbm>>
        %dma_start3A_227 = tpu.memref_slice %arg4[%add3A_221] : memref<163840xi32, #tpu.memory_space<hbm>> -> memref<128xi32, #tpu.memory_space<hbm>>
        tpu.enqueue_dma source(%dma_start3A_227 : memref<128xi32, #tpu.memory_space<hbm>>) target(%arg9 : memref<128xi32, #tpu.memory_space<vmem>>) target_semaphore(%arg17 : memref<!tpu.dma_semaphore, #tpu.memory_space<semaphore_mem>>)
      } else {
      }
      %dma_start3A_122 = arith.constant 0 : i32
      %dma_start3A_123 = arith.constant 0 : i32
      %dma_start3A_124 = tpu.memref_slice %arg15[%dma_start3A_122, %dma_start3A_123] : memref<10240x128xf32, #tpu.memory_space<vmem_shared>> -> memref<10240x128xf32, #tpu.memory_space<vmem_shared>>
      tpu.enqueue_indirect_dma source(%arg13 : memref<128x128xf32, #tpu.memory_space<vmem>>) target(%dma_start3A_124 : memref<10240x128xf32, #tpu.memory_space<vmem_shared>>) offsets(%arg11 : memref<128xi32, #tpu.memory_space<vmem>>) semaphore(%arg19 : memref<!tpu.dma_semaphore, #tpu.memory_space<semaphore_mem>>) {add = true}
      %mul3A_125 = arith.constant 2 : i32
      %mul3A_126 = arith.muli %mul3A_125, %scan3A_38 : i32
      %add3A_127 = arith.constant 1 : i32
      %add3A_128 = arith.addi %mul3A_126, %add3A_127 : i32
      %dma_wait3A_129 = arith.constant 0 : i32
      %dma_wait3A_130 = tpu.memref_slice %arg3[%arg0, %dma_wait3A_129] : memref<2x163840xi32, #tpu.memory_space<hbm>> -> memref<1x128xi32, #tpu.memory_space<hbm>>
      %dma_wait3A_131 = tpu.memref_squeeze %dma_wait3A_130 : memref<1x128xi32, #tpu.memory_space<hbm>> -> memref<128xi32, #tpu.memory_space<hbm>>
      %dma_wait3A_132 = arith.constant 0 : i32
      %dma_wait3A_133 = tpu.memref_slice %arg3[%arg0, %dma_wait3A_132] : memref<2x163840xi32, #tpu.memory_space<hbm>> -> memref<1x128xi32, #tpu.memory_space<hbm>>
      %dma_wait3A_134 = tpu.memref_squeeze %dma_wait3A_133 : memref<1x128xi32, #tpu.memory_space<hbm>> -> memref<128xi32, #tpu.memory_space<hbm>>
      tpu.wait_dma2 semaphore(%arg18 : memref<!tpu.dma_semaphore, #tpu.memory_space<semaphore_mem>>) src(%dma_wait3A_134 : memref<128xi32, #tpu.memory_space<hbm>>) dst(%arg8 : memref<128xi32, #tpu.memory_space<vmem>>)
      %dma_wait3A_135 = arith.constant 0 : i32
      %dma_wait3A_136 = tpu.memref_slice %arg4[%dma_wait3A_135] : memref<163840xi32, #tpu.memory_space<hbm>> -> memref<128xi32, #tpu.memory_space<hbm>>
      %dma_wait3A_137 = arith.constant 0 : i32
      %dma_wait3A_138 = tpu.memref_slice %arg4[%dma_wait3A_137] : memref<163840xi32, #tpu.memory_space<hbm>> -> memref<128xi32, #tpu.memory_space<hbm>>
      tpu.wait_dma2 semaphore(%arg18 : memref<!tpu.dma_semaphore, #tpu.memory_space<semaphore_mem>>) src(%dma_wait3A_138 : memref<128xi32, #tpu.memory_space<hbm>>) dst(%arg10 : memref<128xi32, #tpu.memory_space<vmem>>)
      %gt3A_139 = arith.constant 0 : i32
      %gt3A_140 = arith.cmpi sgt, %scan3A_38, %gt3A_139 : i32
      %convert_element_type3A_141 = arith.extui %gt3A_140 : i1 to i32
      %cond3A_142 = arith.constant 0 : i32
      %cond3A_143 = arith.cmpi ne, %convert_element_type3A_141, %cond3A_142 : i32
      scf.if %cond3A_143 {
        %dma_wait3A_217 = arith.constant 0 : i32
        %dma_wait3A_218 = arith.constant 0 : i32
        %dma_wait3A_219 = tpu.memref_slice %arg5[%dma_wait3A_217, %dma_wait3A_218] : memref<10240x128xf32, #tpu.memory_space<hbm>> -> memref<128x128xf32, #tpu.memory_space<hbm>>
        %dma_wait3A_220 = arith.constant 0 : i32
        %dma_wait3A_221 = arith.constant 0 : i32
        %dma_wait3A_222 = tpu.memref_slice %arg5[%dma_wait3A_220, %dma_wait3A_221] : memref<10240x128xf32, #tpu.memory_space<hbm>> -> memref<128x128xf32, #tpu.memory_space<hbm>>
        tpu.wait_dma2 semaphore(%arg20 : memref<!tpu.dma_semaphore, #tpu.memory_space<semaphore_mem>>) src(%dma_wait3A_222 : memref<128x128xf32, #tpu.memory_space<hbm>>) dst(%arg14 : memref<128x128xf32, #tpu.memory_space<vmem>>)
      } else {
      }
      %get3A_144 = arith.constant 0 : index
      %get3A_145 = tpu.vector_load %arg10[%get3A_144] {strides = array<i32>} : memref<128xi32, #tpu.memory_space<vmem>>, vector<16xi32>,
      %get3A_146 = vector.shape_cast %get3A_145 : vector<16xi32> to vector<16xi32>
      %swap3A_147 = arith.constant 0 : index
      %swap3A_148 = tpu.vector_load %arg12[%swap3A_147] {strides = array<i32>} : memref<128xi32, #tpu.memory_space<vmem>>, vector<16xi32>,
      %swap3A_149 = vector.shape_cast %swap3A_148 : vector<16xi32> to vector<16xi32>
      %swap3A_150 = vector.shape_cast %get3A_146 : vector<16xi32> to vector<16xi32>
      tpu.vector_store %arg12[%swap3A_147], %swap3A_150 {strides = array<i32>} : memref<128xi32, #tpu.memory_space<vmem>>, vector<16xi32>,
      %get3A_151 = arith.constant 16 : index
      %get3A_152 = tpu.vector_load %arg10[%get3A_151] {strides = array<i32>} : memref<128xi32, #tpu.memory_space<vmem>>, vector<16xi32>,
      %get3A_153 = vector.shape_cast %get3A_152 : vector<16xi32> to vector<16xi32>
      %swap3A_154 = arith.constant 16 : index
      %swap3A_155 = tpu.vector_load %arg12[%swap3A_154] {strides = array<i32>} : memref<128xi32, #tpu.memory_space<vmem>>, vector<16xi32>,
      %swap3A_156 = vector.shape_cast %swap3A_155 : vector<16xi32> to vector<16xi32>
      %swap3A_157 = vector.shape_cast %get3A_153 : vector<16xi32> to vector<16xi32>
      tpu.vector_store %arg12[%swap3A_154], %swap3A_157 {strides = array<i32>} : memref<128xi32, #tpu.memory_space<vmem>>, vector<16xi32>,
      %get3A_158 = arith.constant 32 : index
      %get3A_159 = tpu.vector_load %arg10[%get3A_158] {strides = array<i32>} : memref<128xi32, #tpu.memory_space<vmem>>, vector<16xi32>,
      %get3A_160 = vector.shape_cast %get3A_159 : vector<16xi32> to vector<16xi32>
      %swap3A_161 = arith.constant 32 : index
      %swap3A_162 = tpu.vector_load %arg12[%swap3A_161] {strides = array<i32>} : memref<128xi32, #tpu.memory_space<vmem>>, vector<16xi32>,
      %swap3A_163 = vector.shape_cast %swap3A_162 : vector<16xi32> to vector<16xi32>
      %swap3A_164 = vector.shape_cast %get3A_160 : vector<16xi32> to vector<16xi32>
      tpu.vector_store %arg12[%swap3A_161], %swap3A_164 {strides = array<i32>} : memref<128xi32, #tpu.memory_space<vmem>>, vector<16xi32>,
      %get3A_165 = arith.constant 48 : index
      %get3A_166 = tpu.vector_load %arg10[%get3A_165] {strides = array<i32>} : memref<128xi32, #tpu.memory_space<vmem>>, vector<16xi32>,
      %get3A_167 = vector.shape_cast %get3A_166 : vector<16xi32> to vector<16xi32>
      %swap3A_168 = arith.constant 48 : index
      %swap3A_169 = tpu.vector_load %arg12[%swap3A_168] {strides = array<i32>} : memref<128xi32, #tpu.memory_space<vmem>>, vector<16xi32>,
      %swap3A_170 = vector.shape_cast %swap3A_169 : vector<16xi32> to vector<16xi32>
      %swap3A_171 = vector.shape_cast %get3A_167 : vector<16xi32> to vector<16xi32>
      tpu.vector_store %arg12[%swap3A_168], %swap3A_171 {strides = array<i32>} : memref<128xi32, #tpu.memory_space<vmem>>, vector<16xi32>,
      %get3A_172 = arith.constant 64 : index
      %get3A_173 = tpu.vector_load %arg10[%get3A_172] {strides = array<i32>} : memref<128xi32, #tpu.memory_space<vmem>>, vector<16xi32>,
      %get3A_174 = vector.shape_cast %get3A_173 : vector<16xi32> to vector<16xi32>
      %swap3A_175 = arith.constant 64 : index
      %swap3A_176 = tpu.vector_load %arg12[%swap3A_175] {strides = array<i32>} : memref<128xi32, #tpu.memory_space<vmem>>, vector<16xi32>,
      %swap3A_177 = vector.shape_cast %swap3A_176 : vector<16xi32> to vector<16xi32>
      %swap3A_178 = vector.shape_cast %get3A_174 : vector<16xi32> to vector<16xi32>
      tpu.vector_store %arg12[%swap3A_175], %swap3A_178 {strides = array<i32>} : memref<128xi32, #tpu.memory_space<vmem>>, vector<16xi32>,
      %get3A_179 = arith.constant 80 : index
      %get3A_180 = tpu.vector_load %arg10[%get3A_179] {strides = array<i32>} : memref<128xi32, #tpu.memory_space<vmem>>, vector<16xi32>,
      %get3A_181 = vector.shape_cast %get3A_180 : vector<16xi32> to vector<16xi32>
      %swap3A_182 = arith.constant 80 : index
      %swap3A_183 = tpu.vector_load %arg12[%swap3A_182] {strides = array<i32>} : memref<128xi32, #tpu.memory_space<vmem>>, vector<16xi32>,
      %swap3A_184 = vector.shape_cast %swap3A_183 : vector<16xi32> to vector<16xi32>
      %swap3A_185 = vector.shape_cast %get3A_181 : vector<16xi32> to vector<16xi32>
      tpu.vector_store %arg12[%swap3A_182], %swap3A_185 {strides = array<i32>} : memref<128xi32, #tpu.memory_space<vmem>>, vector<16xi32>,
      %get3A_186 = arith.constant 96 : index
      %get3A_187 = tpu.vector_load %arg10[%get3A_186] {strides = array<i32>} : memref<128xi32, #tpu.memory_space<vmem>>, vector<16xi32>,
      %get3A_188 = vector.shape_cast %get3A_187 : vector<16xi32> to vector<16xi32>
      %swap3A_189 = arith.constant 96 : index
      %swap3A_190 = tpu.vector_load %arg12[%swap3A_189] {strides = array<i32>} : memref<128xi32, #tpu.memory_space<vmem>>, vector<16xi32>,
      %swap3A_191 = vector.shape_cast %swap3A_190 : vector<16xi32> to vector<16xi32>
      %swap3A_192 = vector.shape_cast %get3A_188 : vector<16xi32> to vector<16xi32>
      tpu.vector_store %arg12[%swap3A_189], %swap3A_192 {strides = array<i32>} : memref<128xi32, #tpu.memory_space<vmem>>, vector<16xi32>,
      %get3A_193 = arith.constant 112 : index
      %get3A_194 = tpu.vector_load %arg10[%get3A_193] {strides = array<i32>} : memref<128xi32, #tpu.memory_space<vmem>>, vector<16xi32>,
      %get3A_195 = vector.shape_cast %get3A_194 : vector<16xi32> to vector<16xi32>
      %swap3A_196 = arith.constant 112 : index
      %swap3A_197 = tpu.vector_load %arg12[%swap3A_196] {strides = array<i32>} : memref<128xi32, #tpu.memory_space<vmem>>, vector<16xi32>,
      %swap3A_198 = vector.shape_cast %swap3A_197 : vector<16xi32> to vector<16xi32>
      %swap3A_199 = vector.shape_cast %get3A_195 : vector<16xi32> to vector<16xi32>
      tpu.vector_store %arg12[%swap3A_196], %swap3A_199 {strides = array<i32>} : memref<128xi32, #tpu.memory_space<vmem>>, vector<16xi32>,
      %dma_start3A_200 = arith.constant 0 : i32
      %dma_start3A_201 = arith.constant 0 : i32
      %dma_start3A_202 = tpu.memref_slice %arg2[%dma_start3A_200, %dma_start3A_201] : memref<20480x128xf32, #tpu.memory_space<hbm>> -> memref<20480x128xf32, #tpu.memory_space<hbm>>
      tpu.enqueue_indirect_dma source(%dma_start3A_202 : memref<20480x128xf32, #tpu.memory_space<hbm>>) target(%arg14 : memref<128x128xf32, #tpu.memory_space<vmem>>) offsets(%arg8 : memref<128xi32, #tpu.memory_space<vmem>>) semaphore(%arg16 : memref<!tpu.dma_semaphore, #tpu.memory_space<semaphore_mem>>)
      %dma_wait3A_203 = arith.constant 0 : i32
      %dma_wait3A_204 = arith.constant 0 : i32
      %dma_wait3A_205 = tpu.memref_slice %arg2[%dma_wait3A_203, %dma_wait3A_204] : memref<20480x128xf32, #tpu.memory_space<hbm>> -> memref<20480x128xf32, #tpu.memory_space<hbm>>
      tpu.wait_indirect_dma semaphore(%arg16 : memref<!tpu.dma_semaphore, #tpu.memory_space<semaphore_mem>>) src(%dma_wait3A_205 : memref<20480x128xf32, #tpu.memory_space<hbm>>) dst(%arg14 : memref<128x128xf32, #tpu.memory_space<vmem>>)
      %add3A_206 = arith.constant 2 : i32
      %add3A_207 = arith.addi %add3A_128, %add3A_206 : i32
      %lt3A_208 = arith.constant 80 : i32
      %lt3A_209 = arith.cmpi slt, %add3A_207, %lt3A_208 : i32
      %convert_element_type3A_210 = arith.extui %lt3A_209 : i1 to i32
      %cond3A_211 = arith.constant 0 : i32
      %cond3A_212 = arith.cmpi ne, %convert_element_type3A_210, %cond3A_211 : i32
      scf.if %cond3A_212 {
        %add3A_217 = arith.constant 2 : i32
        %add3A_218 = arith.addi %add3A_128, %add3A_217 : i32
        %mul3A_219 = arith.constant 128 : i32
        %mul3A_220 = arith.muli %add3A_218, %mul3A_219 : i32
        %add3A_221 = arith.addi %mul3A_2, %mul3A_220 : i32
        %dma_start3A_222 = tpu.memref_slice %arg3[%arg0, %add3A_221] : memref<2x163840xi32, #tpu.memory_space<hbm>> -> memref<1x128xi32, #tpu.memory_space<hbm>>
        %dma_start3A_223 = tpu.memref_squeeze %dma_start3A_222 : memref<1x128xi32, #tpu.memory_space<hbm>> -> memref<128xi32, #tpu.memory_space<hbm>>
        %dma_start3A_224 = tpu.memref_slice %arg3[%arg0, %add3A_221] : memref<2x163840xi32, #tpu.memory_space<hbm>> -> memref<1x128xi32, #tpu.memory_space<hbm>>
        %dma_start3A_225 = tpu.memref_squeeze %dma_start3A_224 : memref<1x128xi32, #tpu.memory_space<hbm>> -> memref<128xi32, #tpu.memory_space<hbm>>
        tpu.enqueue_dma source(%dma_start3A_225 : memref<128xi32, #tpu.memory_space<hbm>>) target(%arg8 : memref<128xi32, #tpu.memory_space<vmem>>) target_semaphore(%arg18 : memref<!tpu.dma_semaphore, #tpu.memory_space<semaphore_mem>>)
        %dma_start3A_226 = tpu.memref_slice %arg4[%add3A_221] : memref<163840xi32, #tpu.memory_space<hbm>> -> memref<128xi32, #tpu.memory_space<hbm>>
        %dma_start3A_227 = tpu.memref_slice %arg4[%add3A_221] : memref<163840xi32, #tpu.memory_space<hbm>> -> memref<128xi32, #tpu.memory_space<hbm>>
        tpu.enqueue_dma source(%dma_start3A_227 : memref<128xi32, #tpu.memory_space<hbm>>) target(%arg10 : memref<128xi32, #tpu.memory_space<vmem>>) target_semaphore(%arg18 : memref<!tpu.dma_semaphore, #tpu.memory_space<semaphore_mem>>)
      } else {
      }
      %dma_start3A_213 = arith.constant 0 : i32
      %dma_start3A_214 = arith.constant 0 : i32
      %dma_start3A_215 = tpu.memref_slice %arg15[%dma_start3A_213, %dma_start3A_214] : memref<10240x128xf32, #tpu.memory_space<vmem_shared>> -> memref<10240x128xf32, #tpu.memory_space<vmem_shared>>
      tpu.enqueue_indirect_dma source(%arg14 : memref<128x128xf32, #tpu.memory_space<vmem>>) target(%dma_start3A_215 : memref<10240x128xf32, #tpu.memory_space<vmem_shared>>) offsets(%arg12 : memref<128xi32, #tpu.memory_space<vmem>>) semaphore(%arg20 : memref<!tpu.dma_semaphore, #tpu.memory_space<semaphore_mem>>) {add = true}
      %scan3A_216 = arith.constant 0 : i32
      scf.yield %scan3A_216 : i32
    }
    %scan3A_22 = arith.constant 40 : i32
    %dma_wait3A = arith.constant 0 : i32
    %dma_wait3A_23 = arith.constant 0 : i32
    %dma_wait3A_24 = tpu.memref_slice %arg5[%dma_wait3A, %dma_wait3A_23] : memref<10240x128xf32, #tpu.memory_space<hbm>> -> memref<128x128xf32, #tpu.memory_space<hbm>>
    %dma_wait3A_25 = arith.constant 0 : i32
    %dma_wait3A_26 = arith.constant 0 : i32
    %dma_wait3A_27 = tpu.memref_slice %arg5[%dma_wait3A_25, %dma_wait3A_26] : memref<10240x128xf32, #tpu.memory_space<hbm>> -> memref<128x128xf32, #tpu.memory_space<hbm>>
    tpu.wait_dma2 semaphore(%arg19 : memref<!tpu.dma_semaphore, #tpu.memory_space<semaphore_mem>>) src(%dma_wait3A_27 : memref<128x128xf32, #tpu.memory_space<hbm>>) dst(%arg13 : memref<128x128xf32, #tpu.memory_space<vmem>>)
    %dma_wait3A_28 = arith.constant 0 : i32
    %dma_wait3A_29 = arith.constant 0 : i32
    %dma_wait3A_30 = tpu.memref_slice %arg5[%dma_wait3A_28, %dma_wait3A_29] : memref<10240x128xf32, #tpu.memory_space<hbm>> -> memref<128x128xf32, #tpu.memory_space<hbm>>
    %dma_wait3A_31 = arith.constant 0 : i32
    %dma_wait3A_32 = arith.constant 0 : i32
    %dma_wait3A_33 = tpu.memref_slice %arg5[%dma_wait3A_31, %dma_wait3A_32] : memref<10240x128xf32, #tpu.memory_space<hbm>> -> memref<128x128xf32, #tpu.memory_space<hbm>>
    tpu.wait_dma2 semaphore(%arg20 : memref<!tpu.dma_semaphore, #tpu.memory_space<semaphore_mem>>) src(%dma_wait3A_33 : memref<128x128xf32, #tpu.memory_space<hbm>>) dst(%arg14 : memref<128x128xf32, #tpu.memory_space<vmem>>)
    %barrier3A_34 = arith.constant 0 : index
    tpu.barrier barrier_id(%barrier3A_34)
    %mul3A_35 = arith.constant 10240 : i32
    %mul3A_36 = arith.muli %arg0, %mul3A_35 : i32
    %add3A_37 = arith.addi %mul3A_36, %mul3A_0 : i32
    "tpu.region"() ({
      %run_scoped3A = tpu.sem_alloc : memref<!tpu.dma_semaphore, #tpu.memory_space<semaphore_mem>>
      %dma_start3A_38 = arith.constant 0 : i32
      %dma_start3A_39 = tpu.memref_slice %arg6[%add3A_37, %dma_start3A_38] : memref<20480x128xf32, #tpu.memory_space<hbm>> -> memref<640x128xf32, #tpu.memory_space<hbm>>
      %dma_start3A_40 = arith.constant 0 : i32
      %dma_start3A_41 = tpu.memref_slice %arg15[%mul3A_0, %dma_start3A_40] : memref<10240x128xf32, #tpu.memory_space<vmem_shared>> -> memref<640x128xf32, #tpu.memory_space<vmem_shared>>
      tpu.enqueue_dma source(%dma_start3A_41 : memref<640x128xf32, #tpu.memory_space<vmem_shared>>) target(%dma_start3A_39 : memref<640x128xf32, #tpu.memory_space<hbm>>) target_semaphore(%run_scoped3A : memref<!tpu.dma_semaphore, #tpu.memory_space<semaphore_mem>>)
      %dma_wait3A_42 = arith.constant 0 : i32
      %dma_wait3A_43 = tpu.memref_slice %arg6[%add3A_37, %dma_wait3A_42] : memref<20480x128xf32, #tpu.memory_space<hbm>> -> memref<640x128xf32, #tpu.memory_space<hbm>>
      %dma_wait3A_44 = arith.constant 0 : i32
      %dma_wait3A_45 = tpu.memref_slice %arg15[%mul3A_0, %dma_wait3A_44] : memref<10240x128xf32, #tpu.memory_space<vmem_shared>> -> memref<640x128xf32, #tpu.memory_space<vmem_shared>>
      tpu.wait_dma2 semaphore(%run_scoped3A : memref<!tpu.dma_semaphore, #tpu.memory_space<semaphore_mem>>) src(%dma_wait3A_45 : memref<640x128xf32, #tpu.memory_space<vmem_shared>>) dst(%dma_wait3A_43 : memref<640x128xf32, #tpu.memory_space<hbm>>)
      tpu.yield
    }) : () -> ()
    return
  }
}

module attributes {stable_mosaic.version = 14 : i64} {
  func.func @_stage1_body(%arg0: i32, %arg1: i32, %arg2: memref<1024x256xf32, #tpu.memory_space<vmem>>, %arg3: memref<256x128xf32, #tpu.memory_space<vmem>>, %arg4: memref<1x1x1024xf32, #tpu.memory_space<vmem>>, %arg5: memref<1x1x1024xf32, #tpu.memory_space<vmem>>, %arg6: memref<1024x128xf32, #tpu.memory_space<vmem>>) attributes {dimension_semantics = [#tpu.dimension_semantics<arbitrary>, #tpu.dimension_semantics<arbitrary>], iteration_bounds = array<i64: 2, 10>, scalar_prefetch = 0 : i64, scratch_operands = 0 : i64, tpu.core_type = #tpu.core_type<tc>, window_params = [{transform_indices = @transform_0, window_bounds = array<i64: 1024, 256>}, {transform_indices = @transform_1, window_bounds = array<i64: 256, 128>}, {transform_indices = @transform_2, window_bounds = array<i64: 1, 1, 1024>}, {transform_indices = @transform_3, window_bounds = array<i64: 1, 1, 1024>}, {transform_indices = @transform_4, window_bounds = array<i64: 1024, 128>}]} {
    %get3A = arith.constant 0 : index
    %get3A_0 = arith.constant 0 : index
    %get3A_1 = arith.constant 0 : index
    %get3A_2 = vector.load %arg4[%get3A, %get3A_0, %get3A_1] : memref<1x1x1024xf32, #tpu.memory_space<vmem>>, vector<1x1x1024xf32>
    %get3A_3 = vector.shape_cast %get3A_2 : vector<1x1x1024xf32> to vector<1024xf32>
    %get3A_4 = arith.constant 0 : index
    %get3A_5 = arith.constant 0 : index
    %get3A_6 = arith.constant 0 : index
    %get3A_7 = vector.load %arg5[%get3A_4, %get3A_5, %get3A_6] : memref<1x1x1024xf32, #tpu.memory_space<vmem>>, vector<1x1x1024xf32>
    %get3A_8 = vector.shape_cast %get3A_7 : vector<1x1x1024xf32> to vector<1024xf32>
    %add3A = arith.addf %get3A_3, %get3A_8 : vector<1024xf32>
    %add3A_9 = arith.constant 1.000000e+00 : f32
    %add3A_10 = vector.broadcast %add3A_9 : f32 to vector<1024xf32>
    %add3A_11 = arith.addf %add3A, %add3A_10 : vector<1024xf32>
    %rsqrt3A = math.rsqrt %add3A_11 : vector<1024xf32>
    %get3A_12 = arith.constant 0 : index
    %get3A_13 = arith.constant 0 : index
    %get3A_14 = vector.load %arg2[%get3A_12, %get3A_13] : memref<1024x256xf32, #tpu.memory_space<vmem>>, vector<1024x256xf32>
    %get3A_15 = arith.constant 0 : index
    %get3A_16 = arith.constant 0 : index
    %get3A_17 = vector.load %arg3[%get3A_15, %get3A_16] : memref<256x128xf32, #tpu.memory_space<vmem>>, vector<256x128xf32>
    %dot_general3A = arith.constant dense<0.000000e+00> : vector<1024x128xf32>
    %dot_general3A_18 = tpu.matmul %get3A_14, %get3A_17, %dot_general3A {dimension_numbers = #tpu.dot_dimension_numbers<[1], [0], [0], [1], [0, 0, 1, 1], [], []>, transpose_lhs_hint = false} : vector<1024x256xf32>, vector<256x128xf32>, vector<1024x128xf32> -> vector<1024x128xf32>
    %broadcast_in_dim3A = vector.shape_cast %rsqrt3A : vector<1024xf32> to vector<1024x1xf32>
    %mul3A = vector.broadcast %broadcast_in_dim3A : vector<1024x1xf32> to vector<1024x128xf32>
    %mul3A_19 = arith.mulf %dot_general3A_18, %mul3A : vector<1024x128xf32>
    %swap3A = arith.constant 0 : index
    %swap3A_20 = arith.constant 0 : index
    %swap3A_21 = vector.load %arg6[%swap3A, %swap3A_20] : memref<1024x128xf32, #tpu.memory_space<vmem>>, vector<1024x128xf32>
    tpu.vector_store %arg6[%swap3A, %swap3A_20], %mul3A_19 {strides = array<i32>} : memref<1024x128xf32, #tpu.memory_space<vmem>>, vector<1024x128xf32>,
    return
  }
  func.func @transform_0(%arg0: i32, %arg1: i32) -> (i32, i32) {
    %c0_i32 = arith.constant 0 : i32
    %c0_i32_0 = arith.constant 0 : i32
    return %arg1, %c0_i32 : i32, i32
  }
  func.func @transform_1(%arg0: i32, %arg1: i32) -> (i32, i32) {
    %c0_i32 = arith.constant 0 : i32
    %c0_i32_0 = arith.constant 0 : i32
    return %c0_i32, %arg0 : i32, i32
  }
  func.func @transform_2(%arg0: i32, %arg1: i32) -> (i32, i32, i32) {
    %c0_i32 = arith.constant 0 : i32
    %c0_i32_0 = arith.constant 0 : i32
    %c0_i32_1 = arith.constant 0 : i32
    return %arg1, %c0_i32, %c0_i32_0 : i32, i32, i32
  }
  func.func @transform_3(%arg0: i32, %arg1: i32) -> (i32, i32, i32) {
    %c0_i32 = arith.constant 0 : i32
    %c0_i32_0 = arith.constant 0 : i32
    %c0_i32_1 = arith.constant 0 : i32
    return %arg1, %c0_i32, %c0_i32_0 : i32, i32, i32
  }
  func.func @transform_4(%arg0: i32, %arg1: i32) -> (i32, i32) {
    %mul3A = arith.constant 10 : i32
    %mul3A_0 = arith.muli %arg0, %mul3A : i32
    %add3A = arith.addi %mul3A_0, %arg1 : i32
    %c0_i32 = arith.constant 0 : i32
    %c0_i32_1 = arith.constant 0 : i32
    return %add3A, %c0_i32 : i32, i32
  }
}

module attributes {stable_mosaic.version = 14 : i64} {
  func.func @_stage3_body(%arg0: i32, %arg1: memref<1024x128xf32, #tpu.memory_space<vmem>>, %arg2: memref<1024x128xf32, #tpu.memory_space<vmem>>, %arg3: memref<1024x128xf32, #tpu.memory_space<vmem>>, %arg4: memref<1024x128xf32, #tpu.memory_space<vmem>>, %arg5: memref<1x1x1024xf32, #tpu.memory_space<vmem>>, %arg6: memref<1x1x1024xf32, #tpu.memory_space<vmem>>, %arg7: memref<1x128xf32, #tpu.memory_space<vmem>>, %arg8: memref<1x128xf32, #tpu.memory_space<vmem>>, %arg9: memref<1024x128xf32, #tpu.memory_space<vmem>>, %arg10: memref<1024x128xf32, #tpu.memory_space<vmem>>) attributes {dimension_semantics = [#tpu.dimension_semantics<arbitrary>], iteration_bounds = array<i64: 10>, scalar_prefetch = 0 : i64, scratch_operands = 0 : i64, tpu.core_type = #tpu.core_type<tc>, window_params = [{transform_indices = @transform_0, window_bounds = array<i64: 1024, 128>}, {transform_indices = @transform_1, window_bounds = array<i64: 1024, 128>}, {transform_indices = @transform_2, window_bounds = array<i64: 1024, 128>}, {transform_indices = @transform_3, window_bounds = array<i64: 1024, 128>}, {transform_indices = @transform_4, window_bounds = array<i64: 1, 1, 1024>}, {transform_indices = @transform_5, window_bounds = array<i64: 1, 1, 1024>}, {pipeline_mode = #tpu.pipeline_mode<synchronous>, transform_indices = @transform_6, window_bounds = array<i64: 1, 128>}, {pipeline_mode = #tpu.pipeline_mode<synchronous>, transform_indices = @transform_7, window_bounds = array<i64: 1, 128>}, {transform_indices = @transform_8, window_bounds = array<i64: 1024, 128>}, {transform_indices = @transform_9, window_bounds = array<i64: 1024, 128>}]} {
    %get3A = arith.constant 0 : index
    %get3A_0 = arith.constant 0 : index
    %get3A_1 = arith.constant 0 : index
    %get3A_2 = vector.load %arg5[%get3A, %get3A_0, %get3A_1] : memref<1x1x1024xf32, #tpu.memory_space<vmem>>, vector<1x1x1024xf32>
    %get3A_3 = vector.shape_cast %get3A_2 : vector<1x1x1024xf32> to vector<1024xf32>
    %get3A_4 = arith.constant 0 : index
    %get3A_5 = arith.constant 0 : index
    %get3A_6 = arith.constant 0 : index
    %get3A_7 = vector.load %arg6[%get3A_4, %get3A_5, %get3A_6] : memref<1x1x1024xf32, #tpu.memory_space<vmem>>, vector<1x1x1024xf32>
    %get3A_8 = vector.shape_cast %get3A_7 : vector<1x1x1024xf32> to vector<1024xf32>
    %add3A = arith.addf %get3A_3, %get3A_8 : vector<1024xf32>
    %add3A_9 = arith.constant 1.000000e+00 : f32
    %add3A_10 = vector.broadcast %add3A_9 : f32 to vector<1024xf32>
    %add3A_11 = arith.addf %add3A, %add3A_10 : vector<1024xf32>
    %rsqrt3A = math.rsqrt %add3A_11 : vector<1024xf32>
    %get3A_12 = arith.constant 0 : index
    %get3A_13 = arith.constant 0 : index
    %get3A_14 = vector.load %arg1[%get3A_12, %get3A_13] : memref<1024x128xf32, #tpu.memory_space<vmem>>, vector<1024x128xf32>
    %get3A_15 = arith.constant 0 : index
    %get3A_16 = arith.constant 0 : index
    %get3A_17 = vector.load %arg3[%get3A_15, %get3A_16] : memref<1024x128xf32, #tpu.memory_space<vmem>>, vector<1024x128xf32>
    %add3A_18 = arith.addf %get3A_14, %get3A_17 : vector<1024x128xf32>
    %broadcast_in_dim3A = vector.shape_cast %rsqrt3A : vector<1024xf32> to vector<1024x1xf32>
    %mul3A = vector.broadcast %broadcast_in_dim3A : vector<1024x1xf32> to vector<1024x128xf32>
    %mul3A_19 = arith.mulf %add3A_18, %mul3A : vector<1024x128xf32>
    %get3A_20 = arith.constant 0 : index
    %get3A_21 = arith.constant 0 : index
    %get3A_22 = vector.load %arg7[%get3A_20, %get3A_21] : memref<1x128xf32, #tpu.memory_space<vmem>>, vector<1x128xf32>
    %get3A_23 = vector.shape_cast %get3A_22 : vector<1x128xf32> to vector<128xf32>
    %broadcast_in_dim3A_24 = vector.shape_cast %get3A_23 : vector<128xf32> to vector<1x128xf32>
    %add3A_25 = vector.broadcast %broadcast_in_dim3A_24 : vector<1x128xf32> to vector<1024x128xf32>
    %add3A_26 = arith.addf %mul3A_19, %add3A_25 : vector<1024x128xf32>
    %swap3A = arith.constant 0 : index
    %swap3A_27 = arith.constant 0 : index
    %swap3A_28 = vector.load %arg9[%swap3A, %swap3A_27] : memref<1024x128xf32, #tpu.memory_space<vmem>>, vector<1024x128xf32>
    tpu.vector_store %arg9[%swap3A, %swap3A_27], %add3A_26 {strides = array<i32>} : memref<1024x128xf32, #tpu.memory_space<vmem>>, vector<1024x128xf32>,
    %get3A_29 = arith.constant 0 : index
    %get3A_30 = arith.constant 0 : index
    %get3A_31 = vector.load %arg2[%get3A_29, %get3A_30] : memref<1024x128xf32, #tpu.memory_space<vmem>>, vector<1024x128xf32>
    %get3A_32 = arith.constant 0 : index
    %get3A_33 = arith.constant 0 : index
    %get3A_34 = vector.load %arg4[%get3A_32, %get3A_33] : memref<1024x128xf32, #tpu.memory_space<vmem>>, vector<1024x128xf32>
    %add3A_35 = arith.addf %get3A_31, %get3A_34 : vector<1024x128xf32>
    %broadcast_in_dim3A_36 = vector.shape_cast %rsqrt3A : vector<1024xf32> to vector<1024x1xf32>
    %mul3A_37 = vector.broadcast %broadcast_in_dim3A_36 : vector<1024x1xf32> to vector<1024x128xf32>
    %mul3A_38 = arith.mulf %add3A_35, %mul3A_37 : vector<1024x128xf32>
    %get3A_39 = arith.constant 0 : index
    %get3A_40 = arith.constant 0 : index
    %get3A_41 = vector.load %arg8[%get3A_39, %get3A_40] : memref<1x128xf32, #tpu.memory_space<vmem>>, vector<1x128xf32>
    %get3A_42 = vector.shape_cast %get3A_41 : vector<1x128xf32> to vector<128xf32>
    %broadcast_in_dim3A_43 = vector.shape_cast %get3A_42 : vector<128xf32> to vector<1x128xf32>
    %add3A_44 = vector.broadcast %broadcast_in_dim3A_43 : vector<1x128xf32> to vector<1024x128xf32>
    %add3A_45 = arith.addf %mul3A_38, %add3A_44 : vector<1024x128xf32>
    %swap3A_46 = arith.constant 0 : index
    %swap3A_47 = arith.constant 0 : index
    %swap3A_48 = vector.load %arg10[%swap3A_46, %swap3A_47] : memref<1024x128xf32, #tpu.memory_space<vmem>>, vector<1024x128xf32>
    tpu.vector_store %arg10[%swap3A_46, %swap3A_47], %add3A_45 {strides = array<i32>} : memref<1024x128xf32, #tpu.memory_space<vmem>>, vector<1024x128xf32>,
    return
  }
  func.func @transform_0(%arg0: i32) -> (i32, i32) {
    %c0_i32 = arith.constant 0 : i32
    %c0_i32_0 = arith.constant 0 : i32
    return %arg0, %c0_i32 : i32, i32
  }
  func.func @transform_1(%arg0: i32) -> (i32, i32) {
    %add3A = arith.constant 10 : i32
    %add3A_0 = arith.addi %add3A, %arg0 : i32
    %c0_i32 = arith.constant 0 : i32
    %c0_i32_1 = arith.constant 0 : i32
    return %add3A_0, %c0_i32 : i32, i32
  }
  func.func @transform_2(%arg0: i32) -> (i32, i32) {
    %c0_i32 = arith.constant 0 : i32
    %c0_i32_0 = arith.constant 0 : i32
    return %arg0, %c0_i32 : i32, i32
  }
  func.func @transform_3(%arg0: i32) -> (i32, i32) {
    %add3A = arith.constant 10 : i32
    %add3A_0 = arith.addi %add3A, %arg0 : i32
    %c0_i32 = arith.constant 0 : i32
    %c0_i32_1 = arith.constant 0 : i32
    return %add3A_0, %c0_i32 : i32, i32
  }
  func.func @transform_4(%arg0: i32) -> (i32, i32, i32) {
    %c0_i32 = arith.constant 0 : i32
    %c0_i32_0 = arith.constant 0 : i32
    %c0_i32_1 = arith.constant 0 : i32
    return %arg0, %c0_i32, %c0_i32_0 : i32, i32, i32
  }
  func.func @transform_5(%arg0: i32) -> (i32, i32, i32) {
    %c0_i32 = arith.constant 0 : i32
    %c0_i32_0 = arith.constant 0 : i32
    %c0_i32_1 = arith.constant 0 : i32
    return %arg0, %c0_i32, %c0_i32_0 : i32, i32, i32
  }
  func.func @transform_6(%arg0: i32) -> (i32, i32) {
    %c0_i32 = arith.constant 0 : i32
    %c0_i32_0 = arith.constant 0 : i32
    %c0_i32_1 = arith.constant 0 : i32
    return %c0_i32, %c0_i32_0 : i32, i32
  }
  func.func @transform_7(%arg0: i32) -> (i32, i32) {
    %c0_i32 = arith.constant 0 : i32
    %c0_i32_0 = arith.constant 0 : i32
    %c0_i32_1 = arith.constant 0 : i32
    return %c0_i32, %c0_i32_0 : i32, i32
  }
  func.func @transform_8(%arg0: i32) -> (i32, i32) {
    %c0_i32 = arith.constant 0 : i32
    %c0_i32_0 = arith.constant 0 : i32
    return %arg0, %c0_i32 : i32, i32
  }
  func.func @transform_9(%arg0: i32) -> (i32, i32) {
    %c0_i32 = arith.constant 0 : i32
    %c0_i32_0 = arith.constant 0 : i32
    return %arg0, %c0_i32 : i32, i32
  }
}

module attributes {stable_mosaic.version = 14 : i64} {
  func.func @_stage2_body(%arg0: i32, %arg1: i32, %arg2: memref<1024x128xf32, #tpu.memory_space<vmem>>, %arg3: memref<1024x128xf32, #tpu.memory_space<vmem>>, %arg4: memref<1024x128xf32, #tpu.memory_space<vmem>>, %arg5: memref<1024x128xf32, #tpu.memory_space<vmem>>, %arg6: memref<1x1x1024xf32, #tpu.memory_space<vmem>>, %arg7: memref<1x1x1024xf32, #tpu.memory_space<vmem>>, %arg8: memref<1x256xf32, #tpu.memory_space<vmem>>, %arg9: memref<256x128xf32, #tpu.memory_space<vmem>>, %arg10: memref<1024x128xf32, #tpu.memory_space<vmem>>) attributes {dimension_semantics = [#tpu.dimension_semantics<arbitrary>, #tpu.dimension_semantics<arbitrary>], iteration_bounds = array<i64: 2, 10>, scalar_prefetch = 0 : i64, scratch_operands = 0 : i64, tpu.core_type = #tpu.core_type<tc>, window_params = [{transform_indices = @transform_0, window_bounds = array<i64: 1024, 128>}, {transform_indices = @transform_1, window_bounds = array<i64: 1024, 128>}, {transform_indices = @transform_2, window_bounds = array<i64: 1024, 128>}, {transform_indices = @transform_3, window_bounds = array<i64: 1024, 128>}, {transform_indices = @transform_4, window_bounds = array<i64: 1, 1, 1024>}, {transform_indices = @transform_5, window_bounds = array<i64: 1, 1, 1024>}, {pipeline_mode = #tpu.pipeline_mode<synchronous>, transform_indices = @transform_6, window_bounds = array<i64: 1, 256>}, {transform_indices = @transform_7, window_bounds = array<i64: 256, 128>}, {transform_indices = @transform_8, window_bounds = array<i64: 1024, 128>}]} {
    %get3A = arith.constant 0 : index
    %get3A_0 = arith.constant 0 : index
    %get3A_1 = arith.constant 0 : index
    %get3A_2 = vector.load %arg6[%get3A, %get3A_0, %get3A_1] : memref<1x1x1024xf32, #tpu.memory_space<vmem>>, vector<1x1x1024xf32>
    %get3A_3 = vector.shape_cast %get3A_2 : vector<1x1x1024xf32> to vector<1024xf32>
    %get3A_4 = arith.constant 0 : index
    %get3A_5 = arith.constant 0 : index
    %get3A_6 = arith.constant 0 : index
    %get3A_7 = vector.load %arg7[%get3A_4, %get3A_5, %get3A_6] : memref<1x1x1024xf32, #tpu.memory_space<vmem>>, vector<1x1x1024xf32>
    %get3A_8 = vector.shape_cast %get3A_7 : vector<1x1x1024xf32> to vector<1024xf32>
    %add3A = arith.addf %get3A_3, %get3A_8 : vector<1024xf32>
    %add3A_9 = arith.constant 1.000000e+00 : f32
    %add3A_10 = vector.broadcast %add3A_9 : f32 to vector<1024xf32>
    %add3A_11 = arith.addf %add3A, %add3A_10 : vector<1024xf32>
    %rsqrt3A = math.rsqrt %add3A_11 : vector<1024xf32>
    %get3A_12 = arith.constant 0 : index
    %get3A_13 = arith.constant 0 : index
    %get3A_14 = vector.load %arg2[%get3A_12, %get3A_13] : memref<1024x128xf32, #tpu.memory_space<vmem>>, vector<1024x128xf32>
    %get3A_15 = arith.constant 0 : index
    %get3A_16 = arith.constant 0 : index
    %get3A_17 = vector.load %arg4[%get3A_15, %get3A_16] : memref<1024x128xf32, #tpu.memory_space<vmem>>, vector<1024x128xf32>
    %add3A_18 = arith.addf %get3A_14, %get3A_17 : vector<1024x128xf32>
    %broadcast_in_dim3A = vector.shape_cast %rsqrt3A : vector<1024xf32> to vector<1024x1xf32>
    %mul3A = vector.broadcast %broadcast_in_dim3A : vector<1024x1xf32> to vector<1024x128xf32>
    %mul3A_19 = arith.mulf %add3A_18, %mul3A : vector<1024x128xf32>
    %get3A_20 = arith.constant 0 : index
    %get3A_21 = arith.constant 0 : index
    %get3A_22 = vector.load %arg3[%get3A_20, %get3A_21] : memref<1024x128xf32, #tpu.memory_space<vmem>>, vector<1024x128xf32>
    %get3A_23 = arith.constant 0 : index
    %get3A_24 = arith.constant 0 : index
    %get3A_25 = vector.load %arg5[%get3A_23, %get3A_24] : memref<1024x128xf32, #tpu.memory_space<vmem>>, vector<1024x128xf32>
    %add3A_26 = arith.addf %get3A_22, %get3A_25 : vector<1024x128xf32>
    %broadcast_in_dim3A_27 = vector.shape_cast %rsqrt3A : vector<1024xf32> to vector<1024x1xf32>
    %mul3A_28 = vector.broadcast %broadcast_in_dim3A_27 : vector<1024x1xf32> to vector<1024x128xf32>
    %mul3A_29 = arith.mulf %add3A_26, %mul3A_28 : vector<1024x128xf32>
    %concatenate3A = tpu.concatenate %mul3A_19, %mul3A_29 in 1 : vector<1024x128xf32>, vector<1024x128xf32> -> vector<1024x256xf32>
    %get3A_30 = arith.constant 0 : index
    %get3A_31 = arith.constant 0 : index
    %get3A_32 = vector.load %arg8[%get3A_30, %get3A_31] : memref<1x256xf32, #tpu.memory_space<vmem>>, vector<1x256xf32>
    %get3A_33 = vector.shape_cast %get3A_32 : vector<1x256xf32> to vector<256xf32>
    %broadcast_in_dim3A_34 = vector.shape_cast %get3A_33 : vector<256xf32> to vector<1x256xf32>
    %add3A_35 = vector.broadcast %broadcast_in_dim3A_34 : vector<1x256xf32> to vector<1024x256xf32>
    %add3A_36 = arith.addf %concatenate3A, %add3A_35 : vector<1024x256xf32>
    %max3A = arith.constant 0.000000e+00 : f32
    %max3A_37 = vector.broadcast %max3A : f32 to vector<1024x256xf32>
    %max3A_38 = arith.maximumf %add3A_36, %max3A_37 : vector<1024x256xf32>
    %get3A_39 = arith.constant 0 : index
    %get3A_40 = arith.constant 0 : index
    %get3A_41 = vector.load %arg9[%get3A_39, %get3A_40] : memref<256x128xf32, #tpu.memory_space<vmem>>, vector<256x128xf32>
    %dot_general3A = arith.constant dense<0.000000e+00> : vector<1024x128xf32>
    %dot_general3A_42 = tpu.matmul %max3A_38, %get3A_41, %dot_general3A {dimension_numbers = #tpu.dot_dimension_numbers<[1], [0], [0], [1], [0, 0, 1, 1], [], []>, transpose_lhs_hint = false} : vector<1024x256xf32>, vector<256x128xf32>, vector<1024x128xf32> -> vector<1024x128xf32>
    %broadcast_in_dim3A_43 = vector.shape_cast %rsqrt3A : vector<1024xf32> to vector<1024x1xf32>
    %mul3A_44 = vector.broadcast %broadcast_in_dim3A_43 : vector<1024x1xf32> to vector<1024x128xf32>
    %mul3A_45 = arith.mulf %dot_general3A_42, %mul3A_44 : vector<1024x128xf32>
    %swap3A = arith.constant 0 : index
    %swap3A_46 = arith.constant 0 : index
    %swap3A_47 = vector.load %arg10[%swap3A, %swap3A_46] : memref<1024x128xf32, #tpu.memory_space<vmem>>, vector<1024x128xf32>
    tpu.vector_store %arg10[%swap3A, %swap3A_46], %mul3A_45 {strides = array<i32>} : memref<1024x128xf32, #tpu.memory_space<vmem>>, vector<1024x128xf32>,
    return
  }
  func.func @transform_0(%arg0: i32, %arg1: i32) -> (i32, i32) {
    %c0_i32 = arith.constant 0 : i32
    %c0_i32_0 = arith.constant 0 : i32
    return %arg1, %c0_i32 : i32, i32
  }
  func.func @transform_1(%arg0: i32, %arg1: i32) -> (i32, i32) {
    %add3A = arith.constant 10 : i32
    %add3A_0 = arith.addi %add3A, %arg1 : i32
    %c0_i32 = arith.constant 0 : i32
    %c0_i32_1 = arith.constant 0 : i32
    return %add3A_0, %c0_i32 : i32, i32
  }
  func.func @transform_2(%arg0: i32, %arg1: i32) -> (i32, i32) {
    %c0_i32 = arith.constant 0 : i32
    %c0_i32_0 = arith.constant 0 : i32
    return %arg1, %c0_i32 : i32, i32
  }
  func.func @transform_3(%arg0: i32, %arg1: i32) -> (i32, i32) {
    %add3A = arith.constant 10 : i32
    %add3A_0 = arith.addi %add3A, %arg1 : i32
    %c0_i32 = arith.constant 0 : i32
    %c0_i32_1 = arith.constant 0 : i32
    return %add3A_0, %c0_i32 : i32, i32
  }
  func.func @transform_4(%arg0: i32, %arg1: i32) -> (i32, i32, i32) {
    %c0_i32 = arith.constant 0 : i32
    %c0_i32_0 = arith.constant 0 : i32
    %c0_i32_1 = arith.constant 0 : i32
    return %arg1, %c0_i32, %c0_i32_0 : i32, i32, i32
  }
  func.func @transform_5(%arg0: i32, %arg1: i32) -> (i32, i32, i32) {
    %c0_i32 = arith.constant 0 : i32
    %c0_i32_0 = arith.constant 0 : i32
    %c0_i32_1 = arith.constant 0 : i32
    return %arg1, %c0_i32, %c0_i32_0 : i32, i32, i32
  }
  func.func @transform_6(%arg0: i32, %arg1: i32) -> (i32, i32) {
    %c0_i32 = arith.constant 0 : i32
    %c0_i32_0 = arith.constant 0 : i32
    %c0_i32_1 = arith.constant 0 : i32
    return %c0_i32, %c0_i32_0 : i32, i32
  }
  func.func @transform_7(%arg0: i32, %arg1: i32) -> (i32, i32) {
    %c0_i32 = arith.constant 0 : i32
    %c0_i32_0 = arith.constant 0 : i32
    return %c0_i32, %arg0 : i32, i32
  }
  func.func @transform_8(%arg0: i32, %arg1: i32) -> (i32, i32) {
    %mul3A = arith.constant 10 : i32
    %mul3A_0 = arith.muli %arg0, %mul3A : i32
    %add3A = arith.addi %mul3A_0, %arg1 : i32
    %c0_i32 = arith.constant 0 : i32
    %c0_i32_1 = arith.constant 0 : i32
    return %add3A, %c0_i32 : i32, i32
  }
}

</mosaic_0001>

<sc_bundles>
// kernel: kernel.11.cloned.1.call-start
scs
__scs_entry_jumppad:
0x0: {  	(pc) =	sbr.rel $0x88, $3  }
0x1: {  	(tag) =	ssettag $0x0;
	lr =	simm.s32 $0x1  }
0x2: {  	[smem:$0x3F99] =	sst lr;
	_ =	strace $0xD0000000  }
0x3: {  	_ = 	snop  }
0x4: {  	_ = 	snop  }
0x5: {  	_ = 	snop  }
0x6: {  	_ = 	snop  }
0x7: {  	_ = 	snop  }
__scs_overlays_trampoline_lowered:
0x8: {  	[smem:$0x3FA8] =	sst s0  }
0x9: {  	[smem:$0x3FA9] =	sst s1  }
0xa: {  	[smem:$0x3FAA] =	sst s2  }
0xb: {  	[smem:$0x3FAB] =	sst s3  }
0xc: {  	[smem:$0x3FAC] =	sst s4  }
0xd: {  	[smem:$0x3FAD] =	sst s5  }
0xe: {  	[smem:$0x3FAE] =	sst s6  }
0xf: {  	[smem:$0x3FAF] =	sst s7  }
0x10: {  	[smem:$0x3FB0] =	sst s8  }
0x11: {  	[smem:$0x3FB1] =	sst s9;
	s0 =	simm.s32 @!p0 $0x0  }
0x12: {  	s1 =	sld [smem:$0x3F97];
	s0 =	simm.s32 @p0 $0x1  }
0x13: {  	[smem:$0x3FB2] =	sst s0;
	s0 =	simm.s32 @!p1 $0x0  }
0x14: {  	s2 =	sld [smem:$0x3F96];
	s0 =	simm.s32 @p1 $0x1  }
0x15: {  	[smem:$0x3FB3] =	sst s0;
	s0 =	simm.s32 @!p2 $0x0  }
0x16: {  	s3 =	sld [smem:$0x3FDB];
	s0 =	simm.s32 @p2 $0x1  }
0x17: {  	s4 =	simm.s32 $0x1BF5;
	[smem:$0x3FB5] =	sst s0  }
0x18: {  	s0 =	sld [smem:$0x3F98];
	_ =	swait.ge [sflag:s4], $0x0  }
0x19: {  	s7 =	sld [smem:$0x3F99]  }
0x1a: {  	s8 =	sadd.s32 $0xFFFFE003, lr  }
0x1b: {  	s9 =	sadd.s32 $0xFFFFFEF7, lr;
	s5 =	simm.s32 $0xFFFFFFFF;
	p2 =	slt.u32 s8, $0xFFFFF086  }
0x1c: {  	p1 =	slt.u32 s9, $0xF7A;
	s5 =	simm.s32 @!p2 $0x0  }
0x1d: {  	s5 =	simm.s32 @p1 $0x1;
	p0 =	seq.s32 s7, s2  }
0x1e: {  	s7 =	smul.u32 @!p0 $0xF7A, s2;
	p2 =	seq.s32 @!p0 s5, $0x0  }
0x1f: {  	s9 =	smul.u32 $0xF7A, s1;
	s8 =	simm.s32 @!p0 $0x1BF5;
	p2 =	por !p2, p0  }
0x20: {  	[sflag:s8] =	ssyncset.s32 @!p0 $0xFFFFF086;
	s6 =	sadd.s32 @!p0 s3, s7;
	s7 =	simm.s32 @!p0 $0x108  }
0x21: {  	s3 =	sadd.s32 s3, s9;
	s6 =	sadd.s32 @!p0 $0x88, s6;
	s7 =	simm.s32 @p2 $0x1082  }
0x22: {  	[simem:s7], [sflag:s8] =	dma.local @!p0 [hbm:s6], $0xF7A  }
0x23: {  	s9 =	sor.u32 $0xD0000000, s2;
	s6 =	simm.s32 $0x108;
	_ =	swait.ge @!p0 [sflag:s8], $0x0  }
0x24: {  	s3 =	sadd.s32 $0x88, s3;
	s6 =	simm.s32 @!p1 $0x1082;
	[sflag:s4] =	ssyncset.s32 $0xFFFFF086  }
0x25: {  	[simem:s6], [sflag:s4] =	dma.local [hbm:s3], $0xF7A  }
0x26: {  	[smem:$0x3F99] =	sst s1;
	(tag) =	ssettag s2;
	_ =	strace s9  }
0x27: {  	s1 =	sld [smem:$0x3FA9]  }
0x28: {  	s2 =	sld [smem:$0x3FAA]  }
0x29: {  	s4 =	sld [smem:$0x3FAC]  }
0x2a: {  	p0 =	seq.s32 s5, $0x0;
	s5 =	sld [smem:$0x3FAD]  }
0x2b: {  	s6 =	sld [smem:$0x3FAE]  }
0x2c: {  	s7 =	sld [smem:$0x3FAF]  }
0x2d: {  	s3 =	simm.s32 $0x108;
	s8 =	sld [smem:$0x3FB0]  }
0x2e: {  	s3 =	simm.s32 @!p0 $0x1082;
	s9 =	sld [smem:$0x3FB1]  }
0x2f: {  	lr =	sadd.s32 s0, s3;
	s0 =	sld [smem:$0x3FA8]  }
0x30: {  	s3 =	sld [smem:$0x3FAB]  }
0x31: {  	[smem:$0x3FB4] =	sst s10  }
0x32: {  	s10 =	sld [smem:$0x3FB2];
	_ =	sdelay $0x3  }
0x33: {  	p0 =	seq.s32 s10, $0x1;
	s10 =	sld [smem:$0x3FB4];
	_ =	sdelay $0x3  }
0x34: {  	[smem:$0x3FB4] =	sst s10  }
0x35: {  	s10 =	sld [smem:$0x3FB3];
	_ =	sdelay $0x3  }
0x36: {  	p1 =	seq.s32 s10, $0x1;
	s10 =	sld [smem:$0x3FB4];
	_ =	sdelay $0x3  }
0x37: {  	[smem:$0x3FB4] =	sst s10  }
0x38: {  	s10 =	sld [smem:$0x3FB5]  }
0x39: {  	_ = 	snop;
	(pc) =	sbr.ind lr, $3  }
0x3a: {  	_ = 	snop  }
0x3b: {  	_ = 	snop  }
0x3c: {  	p2 =	seq.s32 s10, $0x1;
	s10 =	sld [smem:$0x3FB4]  }
0x3d: {  	_ =	shalt  }
0x3e: {  	_ =	shalt  }
0x3f: {  	_ =	shalt  }
0x40: {  	_ =	shalt  }
0x41: {  	_ =	shalt  }
0x42: {  	_ =	shalt  }
0x43: {  	_ =	shalt  }
0x44: {  	_ =	shalt  }
0x45: {  	_ =	shalt  }
0x46: {  	_ =	shalt  }
0x47: {  	_ =	shalt  }
0x48: {  	_ =	shalt  }
0x49: {  	_ =	shalt  }
0x4a: {  	_ =	shalt  }
0x4b: {  	_ =	shalt  }
0x4c: {  	_ =	shalt  }
0x4d: {  	_ =	shalt  }
0x4e: {  	_ =	shalt  }
0x4f: {  	_ =	shalt  }
0x50: {  	_ =	shalt  }
0x51: {  	_ =	shalt  }
0x52: {  	_ =	shalt  }
0x53: {  	_ =	shalt  }
0x54: {  	_ =	shalt  }
0x55: {  	_ =	shalt  }
0x56: {  	_ =	shalt  }
0x57: {  	_ =	shalt  }
0x58: {  	_ =	shalt  }
0x59: {  	_ =	shalt  }
0x5a: {  	_ =	shalt  }
0x5b: {  	_ =	shalt  }
0x5c: {  	_ =	shalt  }
0x5d: {  	_ =	shalt  }
0x5e: {  	_ =	shalt  }
0x5f: {  	_ =	shalt  }
0x60: {  	_ =	shalt  }
0x61: {  	_ =	shalt  }
0x62: {  	_ =	shalt  }
0x63: {  	_ =	shalt  }
0x64: {  	_ =	shalt  }
0x65: {  	_ =	shalt  }
0x66: {  	_ =	shalt  }
0x67: {  	_ =	shalt  }
0x68: {  	_ =	shalt  }
0x69: {  	_ =	shalt  }
0x6a: {  	_ =	shalt  }
0x6b: {  	_ =	shalt  }
0x6c: {  	_ =	shalt  }
0x6d: {  	_ =	shalt  }
0x6e: {  	_ =	shalt  }
0x6f: {  	_ =	shalt  }
0x70: {  	_ =	shalt  }
0x71: {  	_ =	shalt  }
0x72: {  	_ =	shalt  }
0x73: {  	_ =	shalt  }
0x74: {  	_ =	shalt  }
0x75: {  	_ =	shalt  }
0x76: {  	_ =	shalt  }
0x77: {  	_ =	shalt  }
0x78: {  	_ =	shalt  }
0x79: {  	_ =	shalt  }
0x7a: {  	_ =	shalt  }
0x7b: {  	_ =	shalt  }
0x7c: {  	_ =	shalt  }
0x7d: {  	_ =	shalt  }
0x7e: {  	_ =	shalt  }
0x7f: {  	_ =	shalt  }
0x80: {  	_ =	shalt  }
0x81: {  	_ =	shalt  }
0x82: {  	_ =	shalt  }
0x83: {  	_ =	shalt  }
0x84: {  	_ =	shalt  }
0x85: {  	_ =	shalt  }
0x86: {  	_ =	shalt  }
0x87: {  	_ =	shalt  }
.Lfunc_end0:
.L_simem_size_0:
called_computation.1_lowered:
.L_overlay_start_0:
0x88: {  	s2 =	sld [smem:$0x3FD9]  }
0x89: {  	s3 =	sld [smem:$0x3FFE];
	_ =	sdelay $0x1  }
0x8a: {  	s1 =	srdreg.scid  }
0x8b: {  	s0 =	sand.u32 $0x1, s1  }
0x8c: {  	s14 =	sshll.u32 s0, $0xA;
	s2 =	sadd.s32 s3, s2  }
0x8d: {  	s2 =	sadd.s32 s2, s14  }
0x8e: {  	[smem:$0x3FC0] =	sst s2  }
0x8f: {  	_ = 	snop  }
0x90: {  	s2 =	sld [smem:$0x3FD0];
	_ =	sdelay $0x2  }
0x91: {  	s15 =	simm.s32 $0xA;
	s4 =	simm.s32 $0x10  }
0x92: {  	[smem:s4], [sflag:s15] =	dma.local [hbm:s2], $0x1  }
0x93: {  	_ =	swait.eq [sflag:s15], $0x1  }
0x94: {  	[sflag:s15] =	ssyncset.done $0x0  }
0x95: {  	s16 =	sld [smem:$0x10];
	[sflag:s15] =	ssyncadd.s32 $0xFFFFFFFF  }
0x96: {  	s17 =	sld [smem:$0x11];
	(tm) =	ssettm $0x1  }
0x97: {  	s18 =	sld [smem:$0x3FFB];
	_ =	sdelay $0x3  }
0x98: {  	_ =	strace s18  }
0x99: {  	s4 =	sld [smem:$0x3FFC];
	_ =	sdelay $0x3  }
0x9a: {  	_ =	strace s4  }
0x9b: {  	s4 =	sld [smem:$0x3FFD];
	_ =	sdelay $0x3  }
0x9c: {  	_ =	strace s4  }
0x9d: {  	_ =	strace $0x8FFFFFFF  }
0x9e: {  	s19 =	sld [smem:$0x3FDB];
	_ =	sdelay $0x1  }
0x9f: {  	s5 =	simm.s32 $_scs_section_size  }
0xa0: {  	s6 =	simm.s32 $_size__tile_overlayer_lowered;
	s7 =	simm.s32 $_tile_overlayer_lowered  }
0xa1: {  	s22 =	simm.s32 $0x1BFF;
	s21 =	sshll.u32 s7, $0x1;
	s4 =	sadd.s32 s5, s19  }
0xa2: {  	s8 =	simm.s32 $0x0;
	s20 =	sshll.u32 s6, $0x1;
	s6 =	sadd.s32 s21, s4  }
0xa3: {  	[timem:s8], [sflag:s22] =	dma.local [hbm:s6], s20  }
0xa4: {  	_ =	swait.ge [sflag:s22], s20  }
0xa5: {  	s5 =	ssub.s32 $0x0, s20;
	[sflag:s22] =	ssyncset.done $0x0  }
0xa6: {  	[sflag:s22] =	ssyncadd.s32 s5;
	_ =	sdelay $0x1  }
0xa7: {  	s23 =	simm.s32 $0x1B8B  }
0xa8: {  	_ =	swait.ge [sflag:s23], $0x1  }
0xa9: {  	[sflag:s23] =	ssyncset.done $0x0  }
0xaa: {  	s25 =	simm.s32 $0x1B8E;
	s24 =	sld [smem:$0x3FFE];
	[sflag:s23] =	ssyncadd.s32 $0xFFFFFFFF  }
0xab: {  	s26 =	simm.s32 $execute0_lowered;
	[smem:$0x3FD2] =	sst s25  }
0xac: {  	s6 =	sshll.u32 s26, $0x1;
	_ =	strace $0x80000049;
	[dreg:$0x1] =	wrdreg $0xFFFFFFFF  }
0xad: {  	s28 =	simm.s32 $_size_execute0_lowered;
	s4 =	sadd.s32 s4, s6;
	[dreg:$0x0] =	wrdreg $0x0  }
0xae: {  	s6 =	sshll.u32 s28, $0x1;
	[dreg:$0x2] =	wrdreg s4  }
0xaf: {  	[dreg:$0x3] =	wrdreg s6  }
0xb0: {  	[dreg:$0x4] =	wrdreg $0xC0  }
0xb1: {  	_ =	task [dreg:s8], $0x5FFFF  }
0xb2: {  	[dreg:$0x1] =	wrdreg $0xFFFFFFFF  }
0xb3: {  	[dreg:$0x0] =	wrdreg $0x60  }
0xb4: {  	[dreg:$0x2] =	wrdreg s24  }
0xb5: {  	[dreg:$0x3] =	wrdreg s17  }
0xb6: {  	[dreg:$0x4] =	wrdreg s16  }
0xb7: {  	[dreg:$0x5] =	wrdreg $0x83000  }
0xb8: {  	[dreg:$0x6] =	wrdreg $0x9  }
0xb9: {  	_ =	task.clear_ibuf [dreg:s8], $0x7FFFF;
	_ =	strace $0x90000049  }
0xba: {  	s29 =	simm.s32 $0x9;
	_ =	strace $0x8000004B  }
0xbb: {  	_ =	swait.ge [sflag:s29], $0x1  }
0xbc: {  	[sflag:s29] =	ssyncadd.s32 $0xFFFFFFFF  }
0xbd: {  	_ =	strace $0x9000004B  }
0xbe: {  	_ =	sfence  }
0xbf: {  	s30 =	sld [smem:$0x0];
	_ =	sdelay $0x2  }
0xc0: {  	s31 =	sshll.u32 s1, $0xD;
	s1 =	sshrl.u32 s1, $0x2  }
0xc1: {  	s3 =	sand.u32 $0x4000, s31;
	s1 =	sadd.s32 s1, s30  }
0xc2: {  	s0 =	sor.u32 s3, s0;
	s1 =	sshll.u32 s1, $0x11  }
0xc3: {  	s0 =	sor.u32 s1, s0  }
0xc4: {  	s0 =	sadd.s32 $0x8F2B, s0  }
0xc5: {  	[sflag:s0] =	ssyncadd.remote.s32 $0x1  }
0xc6: {  	_ =	sfence.sel $0xFFFF  }
0xc7: {  	[dreg:$0x0] =	wrdreg $0xFFFFFFFF;
	(pc) =	sbr.abs _section_cstart, $3  }
0xc8: {  	[dreg:$0x1] =	wrdreg $0xFFFFFFFF  }
0xc9: {  	_ =	task.clear_ibuf [dreg:s8], $0x2FFFF;
	_ =	strace $0x9FFFFFFF  }
0xca: {  	(tm) =	ssettm $0x7FFFFFFF  }
0xcb: {  	_ =	shalt  }
tec
execute0_lowered:
.L_overlay_start_1:
0x0: {  	(tag) =	ssettag $0x1  }
0x1: {  	s0 =	rddreg [dreg:$0x0]  }
0x2: {  	s1 =	rddreg [dreg:$0x1]  }
0x3: {  	s2 =	rddreg [dreg:$0x2]  }
0x4: {  	s3 =	rddreg [dreg:$0x3]  }
0x5: {  	s4 =	simm.s32 $0x0;
	s14 =	stileid.u32;
	s5 =	srdreg.scid  }
0x6: {  	s28 =	simm.s32 $0x4300;
	s29 =	simm.s32 $0x280;
	s30 =	simm.s32 $0x4  }
0x7: {  	s31 =	simm.s32 $0x5;
	[smem:$0x7FF] =	sst s4;
	s6 =	smul.u32 $0x2800, s14  }
0x8: {  	s7 =	sand.u32 $0x1, s5;
	s5 =	sadd.s32 $0x1E00, s0;
	s10 =	smul.u32 $0x50000, s14  }
0x9: {  	s25 =	smul.u32 $0x5000, s14;
	s18 =	sshll.u32 s14, $0x6;
	_ =	strace $0x8000004A  }
0xa: {  	s8 =	smul.u32 $0x28000, s7;
	s9 =	ssub.s32 $0x2, s7;
	s11 =	sadd.s32 s6, s0  }
0xb: {  	s12 =	sshrl.u32 s9, $0x1;
	s24 =	sshrl.u32 s10, $0x2;
	s26 =	sshrl.u32 s6, $0x7  }
0xc: {  	s8 =	sadd.s32 s6, s8;
	s13 =	ssub.s32 s9, s12;
	s15 =	sadd.s32 s24, s3  }
0xd: {  	s11 =	sadd.s32 $0x51E00, s11;
	s12 =	sshll.u32 s7, $0x7;
	s17 =	sor.u32 $0x1, s26  }
0xe: {  	s7 =	sor.u32 $0x1C06, s18;
	s6 =	sshrl.u32 s6, $0x3;
	s24 =	smul.u32 $0x500, s14  }
0xf: {  	s18 =	simm.s32 $0x6;
	s0 =	sadd.s32 s8, s0;
	[dreg:$0x5] =	wrdreg s11  }
0x10: {  	s16 =	sor.u32 s12, s25;
	s19 =	sshll.u32 s17, $0x8;
	s6 =	sadd.s32 s2, s6  }
0x11: {  	s23 =	sshll.u32 s17, $0x4;
	s13 =	smax.u32 s13, $0x1;
	s17 =	sshrl.u32 s15, $0x3  }
0x12: {  	s20 =	sshrl.u32 s16, $0x3;
	s10 =	sor.u32 s12, s19;
	[dreg:$0x7] =	wrdreg s6  }
0x13: {  	s11 =	sadd.s32 s2, s23;
	s25 =	sor.u32 $0x300, s16;
	s12 =	sadd.s32 $0x79E00, s0  }
0x14: {  	s14 =	sadd.s32 s24, s2;
	s2 =	sor.u32 $0x200, s16;
	s23 =	simm.s32 $0x300  }
.Ltmp0:
0x15: {  	s24 =	simm.s32 $0x1;
	s0 =	simm.s32 $0x0;
	(pc) =	sbr.rel .LBB2_1-.Ltmp0, $4  }
0x16: {  	s21 =	sadd.s32 s1, s20;
	s10 =	sshrl.u32 s10, $0x3;
	s26 =	sshrl.u32 s25, $0x3  }
0x17: {  	s20 =	simm.s32 $0x80;
	s25 =	simm.s32 $0x200;
	[dreg:$0x6] =	wrdreg s21  }
0x18: {  	s22 =	sadd.s32 s1, s10;
	s19 =	sadd.s32 s26, s1;
	s21 =	simm.s32 $0x180  }
0x19: {  	s26 =	simm.s32 $0x3;
	[dreg:$0x8] =	wrdreg s22;
	s22 =	simm.s32 $0x2  }
.LBB2_4:
0x1a: {  	[spmem:s3] =	stream.indirect.scatter.add.f32 [tilespmem:s28], [sflag:$0x5], $0x80, s29, s20, $0xb8;
	[tilespmem:$0x1C300] =	vst v63  }
0x1b: {  	_ =	swait.ge [sflag:s30], $0x4000  }
0x1c: {  	[sflag:s30] =	ssyncset.done $0x0  }
0x1d: {  	[sflag:s30] =	ssyncadd.s32 $0xFFFFC000  }
0x1e: {  	_ =	swait.ge [sflag:s31], $0x4000  }
0x1f: {  	s0 =	sadd.s32 $0x1, s0;
	[sflag:s31] =	ssyncset.done $0x0  }
0x20: {  	p0 =	sne.s32 s0, s13;
	[sflag:s31] =	ssyncadd.s32 $0xFFFFC000  }
.Ltmp1:
0x21: {  	[bflag:$0x0] =	sbarrier.arrive $0xFFFF;
	(pc) =	sbr.rel @!p0 .LBB2_5-.Ltmp1, $4  }
0x22: {  	[hbm:s12], [sflag:s7] =	dma.local [spmem:s17], $0x2800  }
0x23: {  	_ =	swait.ge [sflag:s18], $0x2800  }
0x24: {  	[sflag:s18] =	ssyncset.done $0x0  }
0x25: {  	[sflag:s18] =	ssyncadd.s32 $0xFFFFD800  }
.LBB2_1:
0x26: {  	s6 =	rddreg [dreg:$0x5]  }
0x27: {  	[spmem:s17], [sflag:s7] =	dma.local [hbm:s6], $0x2800  }
0x28: {  	_ =	swait.ge [sflag:s18], $0x2800  }
0x29: {  	[sflag:s18] =	ssyncset.done $0x0  }
0x2a: {  	[sflag:s18] =	ssyncadd.s32 $0xFFFFD800  }
0x2b: {  	[bflag:$0x0] =	sbarrier.arrive $0xFFFF  }
0x2c: {  	s10 =	rddreg [dreg:$0x6]  }
0x2d: {  	[tilespmem:s4], [sflag:$0x2] =	stream.linear.gather [hbm4b:s10+s4], $0x80, $0x38;
	[tilespmem:$0x1C300] =	vst v63  }
0x2e: {  	s8 =	simm.s32 $0x100;
	s15 =	rddreg [dreg:$0x7]  }
0x2f: {  	[tilespmem:s8], [sflag:$0x2] =	stream.linear.gather [hbm4b:s15+s4], $0x80, $0x38;
	[tilespmem:$0x1C300] =	vst v63  }
0x30: {  	s16 =	rddreg [dreg:$0x8]  }
0x31: {  	[tilespmem:s20], [sflag:$0x3] =	stream.linear.gather [hbm4b:s16+s4], $0x80, $0x38;
	[tilespmem:$0x1C300] =	vst v63  }
0x32: {  	s6 =	simm.s32 $0x0;
	s15 =	smov.u32 s19;
	s16 =	smov.u32 s2  }
0x33: {  	[tilespmem:s21], [sflag:$0x3] =	stream.linear.gather [hbm4b:s11+s4], $0x80, $0x38;
	[tilespmem:$0x1C300] =	vst v63  }
.LBB2_2:
0x34: {  	_ =	swait.ge [sflag:s22], $0x80  }
0x35: {  	[sflag:s22] =	ssyncset.done $0x0  }
0x36: {  	[sflag:s22] =	ssyncadd.s32 $0xFFFFFF80  }
0x37: {  	_ =	swait.ge [sflag:s22], $0x80  }
0x38: {  	p0 =	seq.s32 s6, $0x0;
	[sflag:s22] =	ssyncset.done $0x0  }
0x39: {  	s8 =	simm.s32 @!p0 $0x4;
	[sflag:s22] =	ssyncadd.s32 $0xFFFFFF80  }
0x3a: {  	_ =	swait.ge @!p0 [sflag:s8], $0x4000  }
0x3b: {  	[sflag:s8] =	ssyncset.done @!p0 $0x0  }
0x3c: {  	[sflag:s8] =	ssyncadd.s32 @!p0 $0xFFFFC000  }
0x3d: {  	v0 =	vld [tilespmem:$0x100]  }
0x3e: {  	v1 =	vld [tilespmem:$0x110]  }
0x3f: {  	v2 =	vld [tilespmem:$0x120]  }
0x40: {  	v3 =	vld [tilespmem:$0x130]  }
0x41: {  	v4 =	vld [tilespmem:$0x140]  }
0x42: {  	v53 =	vld [tilespmem:$0x150];
	[tilespmem:$0x200] =	vst v0  }
0x43: {  	v54 =	vld [tilespmem:$0x160];
	[tilespmem:$0x210] =	vst v1  }
0x44: {  	v55 =	vld [tilespmem:$0x170];
	[tilespmem:$0x220] =	vst v2  }
0x45: {  	[tilespmem:$0x230] =	vst v3  }
0x46: {  	[tilespmem:$0x240] =	vst v4  }
0x47: {  	[tilespmem:$0x250] =	vst v53  }
0x48: {  	[tilespmem:$0x260] =	vst v54  }
0x49: {  	[tilespmem:$0x270] =	vst v55  }
0x4a: {  	[tilespmem:s23], [sflag:$0x1] =	stream.indirect.gather [hbm4b:s5+s20], $0x80, s4, s20, $0xb8;
	[tilespmem:$0x1C300] =	vst v63  }
0x4b: {  	p1 =	seq.s32 s6, $0x4E0;
	_ =	swait.ge [sflag:s24], $0x4000  }
0x4c: {  	s8 =	sshrl.u32 @!p1 s16, $0x3;
	[sflag:s24] =	ssyncset.done $0x0  }
0x4d: {  	s9 =	simm.s32 @!p1 $0x0;
	s8 =	sadd.s32 @!p1 s1, s8;
	[sflag:s24] =	ssyncadd.s32 $0xFFFFC000  }
0x4e: {  	[tilespmem:s9], [sflag:$0x2] =	stream.linear.gather @!p1 [hbm4b:s8+s9], $0x80, $0x38;
	[tilespmem:$0x1C300] =	vst v63  }
0x4f: {  	s8 =	sadd.s32 @!p1 s6, s14  }
0x50: {  	s10 =	simm.s32 @!p1 $0x100;
	s8 =	sadd.s32 @!p1 $0x20, s8  }
0x51: {  	[tilespmem:s10], [sflag:$0x2] =	stream.linear.gather @!p1 [hbm4b:s8+s9], $0x80, $0x38;
	[tilespmem:$0x1C300] =	vst v63  }
0x52: {  	_ = 	snop  }
0x53: {  	[spmem:s3] =	stream.indirect.scatter.add.f32 [tilespmem:s23], [sflag:$0x4], $0x80, s25, s20, $0xb8;
	[tilespmem:$0x1C300] =	vst v63  }
0x54: {  	_ =	swait.ge [sflag:s26], $0x80  }
0x55: {  	[sflag:s26] =	ssyncset.done $0x0  }
0x56: {  	[sflag:s26] =	ssyncadd.s32 $0xFFFFFF80  }
0x57: {  	_ =	swait.ge [sflag:s26], $0x80  }
0x58: {  	[sflag:s26] =	ssyncset.done $0x0  }
0x59: {  	s8 =	simm.s32 @!p0 $0x5;
	[sflag:s26] =	ssyncadd.s32 $0xFFFFFF80  }
0x5a: {  	_ =	swait.ge @!p0 [sflag:s8], $0x4000  }
0x5b: {  	[sflag:s8] =	ssyncset.done @!p0 $0x0  }
0x5c: {  	[sflag:s8] =	ssyncadd.s32 @!p0 $0xFFFFC000  }
0x5d: {  	v56 =	vld [tilespmem:$0x180]  }
0x5e: {  	v57 =	vld [tilespmem:$0x190]  }
0x5f: {  	v58 =	vld [tilespmem:$0x1A0]  }
0x60: {  	v59 =	vld [tilespmem:$0x1B0]  }
0x61: {  	v60 =	vld [tilespmem:$0x1C0]  }
0x62: {  	v61 =	vld [tilespmem:$0x1D0];
	[tilespmem:$0x280] =	vst v56  }
0x63: {  	v62 =	vld [tilespmem:$0x1E0];
	[tilespmem:$0x290] =	vst v57  }
0x64: {  	v63 =	vld [tilespmem:$0x1F0];
	[tilespmem:$0x2A0] =	vst v58  }
0x65: {  	[tilespmem:$0x2B0] =	vst v59  }
0x66: {  	[tilespmem:$0x2C0] =	vst v60  }
0x67: {  	[tilespmem:$0x2D0] =	vst v61  }
0x68: {  	[tilespmem:$0x2E0] =	vst v62  }
.Ltmp2:
0x69: {  	[tilespmem:$0x2F0] =	vst v63;
	(pc) =	sbr.rel @p1 .LBB2_4-.Ltmp2, $4  }
0x6a: {  	[tilespmem:s28], [sflag:$0x1] =	stream.indirect.gather [hbm4b:s5+s20], $0x80, s20, s20, $0xb8;
	[tilespmem:$0x1C300] =	vst v63  }
0x6b: {  	_ =	swait.ge [sflag:s24], $0x4000  }
0x6c: {  	[sflag:s24] =	ssyncset.done $0x0  }
0x6d: {  	[sflag:s24] =	ssyncadd.s32 $0xFFFFC000  }
0x6e: {  	[tilespmem:s20], [sflag:$0x3] =	stream.linear.gather [hbm4b:s15+s4], $0x80, $0x38;
	[tilespmem:$0x1C300] =	vst v63  }
.Ltmp3:
0x6f: {  	s8 =	sadd.s32 s6, s14;
	(pc) =	sbr.rel .LBB2_2-.Ltmp3, $4  }
0x70: {  	s8 =	sadd.s32 $0x30, s8  }
0x71: {  	[tilespmem:s21], [sflag:$0x3] =	stream.linear.gather [hbm4b:s8+s4], $0x80, $0x38;
	[tilespmem:$0x1C300] =	vst v63  }
0x72: {  	s6 =	sadd.s32 $0x20, s6;
	s15 =	sadd.s32 $0x40, s15;
	s16 =	sadd.s32 $0x200, s16  }
0x73: {  	[spmem:s3] =	stream.indirect.scatter.add.f32 [tilespmem:s28], [sflag:$0x5], $0x80, s29, s20, $0xb8;
	[tilespmem:$0x1C300] =	vst v63  }
.LBB2_5:
0x74: {  	_ =	sfence.sel $0x180000  }
0x75: {  	[bflag:$0x0] =	sbarrier.arrive $0xFFFF  }
0x76: {  	_ =	strace $0x9000004A  }
0x77: {  	s0 =	stileid.u32;
	[bflag:$0x2] =	sbarrier.arrive $0xFFFF  }
0x78: {  	p0 =	sne.s32 s0, $0x0;
	s0 =	rddreg [dreg:$0x4]  }
0x79: {  	s0 =	sadd.s32 @!p0 $0x100000, s0  }
0x7a: {  	[sflag:s0] =	ssyncadd.tile.s32 @!p0 $0x1;
	_ =	shalt  }
.Lfunc_end2:
_tile_overlayer_lowered:
.L_overlay_start_2:
0x7b: {  	(tag) =	ssettag $0x2  }
0x7c: {  	s0 =	rddreg [dreg:$0x0];
	s2 =	stileid.u32  }
0x7d: {  	s1 =	rddreg [dreg:$0x1];
	p0 =	sne.s32 s2, $0x0  }
0x7e: {  	s3 =	rddreg [dreg:$0x2];
	[bflag:$0x3] =	sbarrier.arrive $0xFFFF;
	s2 =	simm.s32 @!p0 $0x1C06  }
0x7f: {  	[timem:s3], [sflag:s2] =	dma.local @!p0 [hbm:s0], s1  }
0x80: {  	s0 =	simm.s32 @!p0 $0x6  }
0x81: {  	_ =	swait.ge @!p0 [sflag:s0], s1  }
0x82: {  	s1 =	ssub.s32 @!p0 $0x0, s1;
	[sflag:s0] =	ssyncset.done @!p0 $0x0  }
0x83: {  	[sflag:s0] =	ssyncadd.s32 @!p0 s1  }
0x84: {  	[bflag:$0x3] =	sbarrier.arrive $0xFFFF  }
0x85: {  	_ =	shalt  }

// kernel: kernel.14.cloned.1.call-start
scs
__scs_entry_jumppad:
0x0: {  	(pc) =	sbr.rel $0x88, $3  }
0x1: {  	(tag) =	ssettag $0x0;
	lr =	simm.s32 $0x1  }
0x2: {  	[smem:$0x3F99] =	sst lr;
	_ =	strace $0xD0000000  }
0x3: {  	_ = 	snop  }
0x4: {  	_ = 	snop  }
0x5: {  	_ = 	snop  }
0x6: {  	_ = 	snop  }
0x7: {  	_ = 	snop  }
__scs_overlays_trampoline_lowered:
0x8: {  	[smem:$0x3FA8] =	sst s0  }
0x9: {  	[smem:$0x3FA9] =	sst s1  }
0xa: {  	[smem:$0x3FAA] =	sst s2  }
0xb: {  	[smem:$0x3FAB] =	sst s3  }
0xc: {  	[smem:$0x3FAC] =	sst s4  }
0xd: {  	[smem:$0x3FAD] =	sst s5  }
0xe: {  	[smem:$0x3FAE] =	sst s6  }
0xf: {  	[smem:$0x3FAF] =	sst s7  }
0x10: {  	[smem:$0x3FB0] =	sst s8  }
0x11: {  	[smem:$0x3FB1] =	sst s9;
	s0 =	simm.s32 @!p0 $0x0  }
0x12: {  	s1 =	sld [smem:$0x3F97];
	s0 =	simm.s32 @p0 $0x1  }
0x13: {  	[smem:$0x3FB2] =	sst s0;
	s0 =	simm.s32 @!p1 $0x0  }
0x14: {  	s2 =	sld [smem:$0x3F96];
	s0 =	simm.s32 @p1 $0x1  }
0x15: {  	[smem:$0x3FB3] =	sst s0;
	s0 =	simm.s32 @!p2 $0x0  }
0x16: {  	s3 =	sld [smem:$0x3FDB];
	s0 =	simm.s32 @p2 $0x1  }
0x17: {  	s4 =	simm.s32 $0x1BF5;
	[smem:$0x3FB5] =	sst s0  }
0x18: {  	s0 =	sld [smem:$0x3F98];
	_ =	swait.ge [sflag:s4], $0x0  }
0x19: {  	s7 =	sld [smem:$0x3F99]  }
0x1a: {  	s8 =	sadd.s32 $0xFFFFE003, lr  }
0x1b: {  	s9 =	sadd.s32 $0xFFFFFEF7, lr;
	s5 =	simm.s32 $0xFFFFFFFF;
	p2 =	slt.u32 s8, $0xFFFFF086  }
0x1c: {  	p1 =	slt.u32 s9, $0xF7A;
	s5 =	simm.s32 @!p2 $0x0  }
0x1d: {  	s5 =	simm.s32 @p1 $0x1;
	p0 =	seq.s32 s7, s2  }
0x1e: {  	s7 =	smul.u32 @!p0 $0xF7A, s2;
	p2 =	seq.s32 @!p0 s5, $0x0  }
0x1f: {  	s9 =	smul.u32 $0xF7A, s1;
	s8 =	simm.s32 @!p0 $0x1BF5;
	p2 =	por !p2, p0  }
0x20: {  	[sflag:s8] =	ssyncset.s32 @!p0 $0xFFFFF086;
	s6 =	sadd.s32 @!p0 s3, s7;
	s7 =	simm.s32 @!p0 $0x108  }
0x21: {  	s3 =	sadd.s32 s3, s9;
	s6 =	sadd.s32 @!p0 $0x88, s6;
	s7 =	simm.s32 @p2 $0x1082  }
0x22: {  	[simem:s7], [sflag:s8] =	dma.local @!p0 [hbm:s6], $0xF7A  }
0x23: {  	s9 =	sor.u32 $0xD0000000, s2;
	s6 =	simm.s32 $0x108;
	_ =	swait.ge @!p0 [sflag:s8], $0x0  }
0x24: {  	s3 =	sadd.s32 $0x88, s3;
	s6 =	simm.s32 @!p1 $0x1082;
	[sflag:s4] =	ssyncset.s32 $0xFFFFF086  }
0x25: {  	[simem:s6], [sflag:s4] =	dma.local [hbm:s3], $0xF7A  }
0x26: {  	[smem:$0x3F99] =	sst s1;
	(tag) =	ssettag s2;
	_ =	strace s9  }
0x27: {  	s1 =	sld [smem:$0x3FA9]  }
0x28: {  	s2 =	sld [smem:$0x3FAA]  }
0x29: {  	s4 =	sld [smem:$0x3FAC]  }
0x2a: {  	p0 =	seq.s32 s5, $0x0;
	s5 =	sld [smem:$0x3FAD]  }
0x2b: {  	s6 =	sld [smem:$0x3FAE]  }
0x2c: {  	s7 =	sld [smem:$0x3FAF]  }
0x2d: {  	s3 =	simm.s32 $0x108;
	s8 =	sld [smem:$0x3FB0]  }
0x2e: {  	s3 =	simm.s32 @!p0 $0x1082;
	s9 =	sld [smem:$0x3FB1]  }
0x2f: {  	lr =	sadd.s32 s0, s3;
	s0 =	sld [smem:$0x3FA8]  }
0x30: {  	s3 =	sld [smem:$0x3FAB]  }
0x31: {  	[smem:$0x3FB4] =	sst s10  }
0x32: {  	s10 =	sld [smem:$0x3FB2];
	_ =	sdelay $0x3  }
0x33: {  	p0 =	seq.s32 s10, $0x1;
	s10 =	sld [smem:$0x3FB4];
	_ =	sdelay $0x3  }
0x34: {  	[smem:$0x3FB4] =	sst s10  }
0x35: {  	s10 =	sld [smem:$0x3FB3];
	_ =	sdelay $0x3  }
0x36: {  	p1 =	seq.s32 s10, $0x1;
	s10 =	sld [smem:$0x3FB4];
	_ =	sdelay $0x3  }
0x37: {  	[smem:$0x3FB4] =	sst s10  }
0x38: {  	s10 =	sld [smem:$0x3FB5]  }
0x39: {  	_ = 	snop;
	(pc) =	sbr.ind lr, $3  }
0x3a: {  	_ = 	snop  }
0x3b: {  	_ = 	snop  }
0x3c: {  	p2 =	seq.s32 s10, $0x1;
	s10 =	sld [smem:$0x3FB4]  }
0x3d: {  	_ =	shalt  }
0x3e: {  	_ =	shalt  }
0x3f: {  	_ =	shalt  }
0x40: {  	_ =	shalt  }
0x41: {  	_ =	shalt  }
0x42: {  	_ =	shalt  }
0x43: {  	_ =	shalt  }
0x44: {  	_ =	shalt  }
0x45: {  	_ =	shalt  }
0x46: {  	_ =	shalt  }
0x47: {  	_ =	shalt  }
0x48: {  	_ =	shalt  }
0x49: {  	_ =	shalt  }
0x4a: {  	_ =	shalt  }
0x4b: {  	_ =	shalt  }
0x4c: {  	_ =	shalt  }
0x4d: {  	_ =	shalt  }
0x4e: {  	_ =	shalt  }
0x4f: {  	_ =	shalt  }
0x50: {  	_ =	shalt  }
0x51: {  	_ =	shalt  }
0x52: {  	_ =	shalt  }
0x53: {  	_ =	shalt  }
0x54: {  	_ =	shalt  }
0x55: {  	_ =	shalt  }
0x56: {  	_ =	shalt  }
0x57: {  	_ =	shalt  }
0x58: {  	_ =	shalt  }
0x59: {  	_ =	shalt  }
0x5a: {  	_ =	shalt  }
0x5b: {  	_ =	shalt  }
0x5c: {  	_ =	shalt  }
0x5d: {  	_ =	shalt  }
0x5e: {  	_ =	shalt  }
0x5f: {  	_ =	shalt  }
0x60: {  	_ =	shalt  }
0x61: {  	_ =	shalt  }
0x62: {  	_ =	shalt  }
0x63: {  	_ =	shalt  }
0x64: {  	_ =	shalt  }
0x65: {  	_ =	shalt  }
0x66: {  	_ =	shalt  }
0x67: {  	_ =	shalt  }
0x68: {  	_ =	shalt  }
0x69: {  	_ =	shalt  }
0x6a: {  	_ =	shalt  }
0x6b: {  	_ =	shalt  }
0x6c: {  	_ =	shalt  }
0x6d: {  	_ =	shalt  }
0x6e: {  	_ =	shalt  }
0x6f: {  	_ =	shalt  }
0x70: {  	_ =	shalt  }
0x71: {  	_ =	shalt  }
0x72: {  	_ =	shalt  }
0x73: {  	_ =	shalt  }
0x74: {  	_ =	shalt  }
0x75: {  	_ =	shalt  }
0x76: {  	_ =	shalt  }
0x77: {  	_ =	shalt  }
0x78: {  	_ =	shalt  }
0x79: {  	_ =	shalt  }
0x7a: {  	_ =	shalt  }
0x7b: {  	_ =	shalt  }
0x7c: {  	_ =	shalt  }
0x7d: {  	_ =	shalt  }
0x7e: {  	_ =	shalt  }
0x7f: {  	_ =	shalt  }
0x80: {  	_ =	shalt  }
0x81: {  	_ =	shalt  }
0x82: {  	_ =	shalt  }
0x83: {  	_ =	shalt  }
0x84: {  	_ =	shalt  }
0x85: {  	_ =	shalt  }
0x86: {  	_ =	shalt  }
0x87: {  	_ =	shalt  }
.Lfunc_end0:
.L_simem_size_0:
called_computation.2_lowered:
.L_overlay_start_0:
0x88: {  	s2 =	sld [smem:$0x3FD9]  }
0x89: {  	s3 =	sld [smem:$0x3FFE];
	_ =	sdelay $0x1  }
0x8a: {  	s1 =	srdreg.scid  }
0x8b: {  	s0 =	sand.u32 $0x1, s1  }
0x8c: {  	s14 =	sshll.u32 s0, $0xA;
	s2 =	sadd.s32 s3, s2  }
0x8d: {  	s2 =	sadd.s32 s2, s14  }
0x8e: {  	[smem:$0x3FC0] =	sst s2  }
0x8f: {  	_ = 	snop  }
0x90: {  	s2 =	sld [smem:$0x3FD0];
	_ =	sdelay $0x2  }
0x91: {  	s15 =	simm.s32 $0xA;
	s4 =	simm.s32 $0x10  }
0x92: {  	[smem:s4], [sflag:s15] =	dma.local [hbm:s2], $0x1  }
0x93: {  	_ =	swait.eq [sflag:s15], $0x1  }
0x94: {  	[sflag:s15] =	ssyncset.done $0x0  }
0x95: {  	s16 =	sld [smem:$0x10];
	[sflag:s15] =	ssyncadd.s32 $0xFFFFFFFF  }
0x96: {  	s17 =	sld [smem:$0x11];
	(tm) =	ssettm $0x1  }
0x97: {  	s18 =	sld [smem:$0x3FFB];
	_ =	sdelay $0x3  }
0x98: {  	_ =	strace s18  }
0x99: {  	s4 =	sld [smem:$0x3FFC];
	_ =	sdelay $0x3  }
0x9a: {  	_ =	strace s4  }
0x9b: {  	s4 =	sld [smem:$0x3FFD];
	_ =	sdelay $0x3  }
0x9c: {  	_ =	strace s4  }
0x9d: {  	_ =	strace $0x8FFFFFFF  }
0x9e: {  	s19 =	sld [smem:$0x3FDB];
	_ =	sdelay $0x1  }
0x9f: {  	s5 =	simm.s32 $_scs_section_size  }
0xa0: {  	s6 =	simm.s32 $_size__tile_overlayer_lowered;
	s7 =	simm.s32 $_tile_overlayer_lowered  }
0xa1: {  	s22 =	simm.s32 $0x1BFF;
	s21 =	sshll.u32 s7, $0x1;
	s4 =	sadd.s32 s5, s19  }
0xa2: {  	s8 =	simm.s32 $0x0;
	s20 =	sshll.u32 s6, $0x1;
	s6 =	sadd.s32 s21, s4  }
0xa3: {  	[timem:s8], [sflag:s22] =	dma.local [hbm:s6], s20  }
0xa4: {  	_ =	swait.ge [sflag:s22], s20  }
0xa5: {  	s5 =	ssub.s32 $0x0, s20;
	[sflag:s22] =	ssyncset.done $0x0  }
0xa6: {  	[sflag:s22] =	ssyncadd.s32 s5;
	_ =	sdelay $0x1  }
0xa7: {  	s23 =	simm.s32 $0x1B8B  }
0xa8: {  	_ =	swait.ge [sflag:s23], $0x1  }
0xa9: {  	[sflag:s23] =	ssyncset.done $0x0  }
0xaa: {  	s25 =	simm.s32 $0x1B8E;
	s24 =	sld [smem:$0x3FFE];
	[sflag:s23] =	ssyncadd.s32 $0xFFFFFFFF  }
0xab: {  	s26 =	simm.s32 $execute0_lowered;
	[smem:$0x3FD2] =	sst s25  }
0xac: {  	s6 =	sshll.u32 s26, $0x1;
	_ =	strace $0x8000004C;
	[dreg:$0x1] =	wrdreg $0xFFFFFFFF  }
0xad: {  	s28 =	simm.s32 $_size_execute0_lowered;
	s4 =	sadd.s32 s4, s6;
	[dreg:$0x0] =	wrdreg $0x0  }
0xae: {  	s6 =	sshll.u32 s28, $0x1;
	[dreg:$0x2] =	wrdreg s4  }
0xaf: {  	[dreg:$0x3] =	wrdreg s6  }
0xb0: {  	[dreg:$0x4] =	wrdreg $0xC0  }
0xb1: {  	_ =	task [dreg:s8], $0x5FFFF  }
0xb2: {  	[dreg:$0x1] =	wrdreg $0xFFFFFFFF  }
0xb3: {  	[dreg:$0x0] =	wrdreg $0x60  }
0xb4: {  	[dreg:$0x2] =	wrdreg s24  }
0xb5: {  	[dreg:$0x3] =	wrdreg s17  }
0xb6: {  	[dreg:$0x4] =	wrdreg s16  }
0xb7: {  	[dreg:$0x5] =	wrdreg $0x83000  }
0xb8: {  	[dreg:$0x6] =	wrdreg $0x9  }
0xb9: {  	_ =	task.clear_ibuf [dreg:s8], $0x7FFFF;
	_ =	strace $0x9000004C  }
0xba: {  	s29 =	simm.s32 $0x9;
	_ =	strace $0x8000004E  }
0xbb: {  	_ =	swait.ge [sflag:s29], $0x1  }
0xbc: {  	[sflag:s29] =	ssyncadd.s32 $0xFFFFFFFF  }
0xbd: {  	_ =	strace $0x9000004E  }
0xbe: {  	_ =	sfence  }
0xbf: {  	s30 =	sld [smem:$0x0];
	_ =	sdelay $0x2  }
0xc0: {  	s31 =	sshll.u32 s1, $0xD;
	s1 =	sshrl.u32 s1, $0x2  }
0xc1: {  	s3 =	sand.u32 $0x4000, s31;
	s1 =	sadd.s32 s1, s30  }
0xc2: {  	s0 =	sor.u32 s3, s0;
	s1 =	sshll.u32 s1, $0x11  }
0xc3: {  	s0 =	sor.u32 s1, s0  }
0xc4: {  	s0 =	sadd.s32 $0x8F2B, s0  }
0xc5: {  	[sflag:s0] =	ssyncadd.remote.s32 $0x1  }
0xc6: {  	_ =	sfence.sel $0xFFFF  }
0xc7: {  	[dreg:$0x0] =	wrdreg $0xFFFFFFFF;
	(pc) =	sbr.abs _section_cstart, $3  }
0xc8: {  	[dreg:$0x1] =	wrdreg $0xFFFFFFFF  }
0xc9: {  	_ =	task.clear_ibuf [dreg:s8], $0x2FFFF;
	_ =	strace $0x9FFFFFFF  }
0xca: {  	(tm) =	ssettm $0x7FFFFFFF  }
0xcb: {  	_ =	shalt  }
tec
execute0_lowered:
.L_overlay_start_1:
0x0: {  	(tag) =	ssettag $0x1  }
0x1: {  	s0 =	rddreg [dreg:$0x0]  }
0x2: {  	s1 =	rddreg [dreg:$0x1]  }
0x3: {  	s2 =	rddreg [dreg:$0x2]  }
0x4: {  	s3 =	rddreg [dreg:$0x3]  }
0x5: {  	s4 =	simm.s32 $0x0;
	s14 =	stileid.u32;
	s5 =	srdreg.scid  }
0x6: {  	s28 =	simm.s32 $0x4300;
	s29 =	simm.s32 $0x280;
	s30 =	simm.s32 $0x4  }
0x7: {  	s31 =	simm.s32 $0x5;
	[smem:$0x7FF] =	sst s4;
	s6 =	smul.u32 $0x2800, s14  }
0x8: {  	s7 =	sand.u32 $0x1, s5;
	s5 =	sadd.s32 $0x1E00, s0;
	s10 =	smul.u32 $0x50000, s14  }
0x9: {  	s25 =	smul.u32 $0x5000, s14;
	s18 =	sshll.u32 s14, $0x6;
	_ =	strace $0x8000004D  }
0xa: {  	s8 =	smul.u32 $0x28000, s7;
	s9 =	ssub.s32 $0x2, s7;
	s11 =	sadd.s32 s6, s0  }
0xb: {  	s12 =	sshrl.u32 s9, $0x1;
	s24 =	sshrl.u32 s10, $0x2;
	s26 =	sshrl.u32 s6, $0x7  }
0xc: {  	s8 =	sadd.s32 s6, s8;
	s13 =	ssub.s32 s9, s12;
	s15 =	sadd.s32 s24, s3  }
0xd: {  	s11 =	sadd.s32 $0x51E00, s11;
	s12 =	sshll.u32 s7, $0x7;
	s17 =	sor.u32 $0x1, s26  }
0xe: {  	s7 =	sor.u32 $0x1C06, s18;
	s6 =	sshrl.u32 s6, $0x3;
	s24 =	smul.u32 $0x500, s14  }
0xf: {  	s18 =	simm.s32 $0x6;
	s0 =	sadd.s32 s8, s0;
	[dreg:$0x5] =	wrdreg s11  }
0x10: {  	s16 =	sor.u32 s12, s25;
	s19 =	sshll.u32 s17, $0x8;
	s6 =	sadd.s32 s2, s6  }
0x11: {  	s23 =	sshll.u32 s17, $0x4;
	s13 =	smax.u32 s13, $0x1;
	s17 =	sshrl.u32 s15, $0x3  }
0x12: {  	s20 =	sshrl.u32 s16, $0x3;
	s10 =	sor.u32 s12, s19;
	[dreg:$0x7] =	wrdreg s6  }
0x13: {  	s11 =	sadd.s32 s2, s23;
	s25 =	sor.u32 $0x300, s16;
	s12 =	sadd.s32 $0x79E00, s0  }
0x14: {  	s14 =	sadd.s32 s24, s2;
	s2 =	sor.u32 $0x200, s16;
	s23 =	simm.s32 $0x300  }
.Ltmp0:
0x15: {  	s24 =	simm.s32 $0x1;
	s0 =	simm.s32 $0x0;
	(pc) =	sbr.rel .LBB2_1-.Ltmp0, $4  }
0x16: {  	s21 =	sadd.s32 s1, s20;
	s10 =	sshrl.u32 s10, $0x3;
	s26 =	sshrl.u32 s25, $0x3  }
0x17: {  	s20 =	simm.s32 $0x80;
	s25 =	simm.s32 $0x200;
	[dreg:$0x6] =	wrdreg s21  }
0x18: {  	s22 =	sadd.s32 s1, s10;
	s19 =	sadd.s32 s26, s1;
	s21 =	simm.s32 $0x180  }
0x19: {  	s26 =	simm.s32 $0x3;
	[dreg:$0x8] =	wrdreg s22;
	s22 =	simm.s32 $0x2  }
.LBB2_4:
0x1a: {  	[spmem:s3] =	stream.indirect.scatter.add.f32 [tilespmem:s28], [sflag:$0x5], $0x80, s29, s20, $0xb8;
	[tilespmem:$0x1C300] =	vst v63  }
0x1b: {  	_ =	swait.ge [sflag:s30], $0x4000  }
0x1c: {  	[sflag:s30] =	ssyncset.done $0x0  }
0x1d: {  	[sflag:s30] =	ssyncadd.s32 $0xFFFFC000  }
0x1e: {  	_ =	swait.ge [sflag:s31], $0x4000  }
0x1f: {  	s0 =	sadd.s32 $0x1, s0;
	[sflag:s31] =	ssyncset.done $0x0  }
0x20: {  	p0 =	sne.s32 s0, s13;
	[sflag:s31] =	ssyncadd.s32 $0xFFFFC000  }
.Ltmp1:
0x21: {  	[bflag:$0x0] =	sbarrier.arrive $0xFFFF;
	(pc) =	sbr.rel @!p0 .LBB2_5-.Ltmp1, $4  }
0x22: {  	[hbm:s12], [sflag:s7] =	dma.local [spmem:s17], $0x2800  }
0x23: {  	_ =	swait.ge [sflag:s18], $0x2800  }
0x24: {  	[sflag:s18] =	ssyncset.done $0x0  }
0x25: {  	[sflag:s18] =	ssyncadd.s32 $0xFFFFD800  }
.LBB2_1:
0x26: {  	s6 =	rddreg [dreg:$0x5]  }
0x27: {  	[spmem:s17], [sflag:s7] =	dma.local [hbm:s6], $0x2800  }
0x28: {  	_ =	swait.ge [sflag:s18], $0x2800  }
0x29: {  	[sflag:s18] =	ssyncset.done $0x0  }
0x2a: {  	[sflag:s18] =	ssyncadd.s32 $0xFFFFD800  }
0x2b: {  	[bflag:$0x0] =	sbarrier.arrive $0xFFFF  }
0x2c: {  	s10 =	rddreg [dreg:$0x6]  }
0x2d: {  	[tilespmem:s4], [sflag:$0x2] =	stream.linear.gather [hbm4b:s10+s4], $0x80, $0x38;
	[tilespmem:$0x1C300] =	vst v63  }
0x2e: {  	s8 =	simm.s32 $0x100;
	s15 =	rddreg [dreg:$0x7]  }
0x2f: {  	[tilespmem:s8], [sflag:$0x2] =	stream.linear.gather [hbm4b:s15+s4], $0x80, $0x38;
	[tilespmem:$0x1C300] =	vst v63  }
0x30: {  	s16 =	rddreg [dreg:$0x8]  }
0x31: {  	[tilespmem:s20], [sflag:$0x3] =	stream.linear.gather [hbm4b:s16+s4], $0x80, $0x38;
	[tilespmem:$0x1C300] =	vst v63  }
0x32: {  	s6 =	simm.s32 $0x0;
	s15 =	smov.u32 s19;
	s16 =	smov.u32 s2  }
0x33: {  	[tilespmem:s21], [sflag:$0x3] =	stream.linear.gather [hbm4b:s11+s4], $0x80, $0x38;
	[tilespmem:$0x1C300] =	vst v63  }
.LBB2_2:
0x34: {  	_ =	swait.ge [sflag:s22], $0x80  }
0x35: {  	[sflag:s22] =	ssyncset.done $0x0  }
0x36: {  	[sflag:s22] =	ssyncadd.s32 $0xFFFFFF80  }
0x37: {  	_ =	swait.ge [sflag:s22], $0x80  }
0x38: {  	p0 =	seq.s32 s6, $0x0;
	[sflag:s22] =	ssyncset.done $0x0  }
0x39: {  	s8 =	simm.s32 @!p0 $0x4;
	[sflag:s22] =	ssyncadd.s32 $0xFFFFFF80  }
0x3a: {  	_ =	swait.ge @!p0 [sflag:s8], $0x4000  }
0x3b: {  	[sflag:s8] =	ssyncset.done @!p0 $0x0  }
0x3c: {  	[sflag:s8] =	ssyncadd.s32 @!p0 $0xFFFFC000  }
0x3d: {  	v0 =	vld [tilespmem:$0x100]  }
0x3e: {  	v1 =	vld [tilespmem:$0x110]  }
0x3f: {  	v2 =	vld [tilespmem:$0x120]  }
0x40: {  	v3 =	vld [tilespmem:$0x130]  }
0x41: {  	v4 =	vld [tilespmem:$0x140]  }
0x42: {  	v53 =	vld [tilespmem:$0x150];
	[tilespmem:$0x200] =	vst v0  }
0x43: {  	v54 =	vld [tilespmem:$0x160];
	[tilespmem:$0x210] =	vst v1  }
0x44: {  	v55 =	vld [tilespmem:$0x170];
	[tilespmem:$0x220] =	vst v2  }
0x45: {  	[tilespmem:$0x230] =	vst v3  }
0x46: {  	[tilespmem:$0x240] =	vst v4  }
0x47: {  	[tilespmem:$0x250] =	vst v53  }
0x48: {  	[tilespmem:$0x260] =	vst v54  }
0x49: {  	[tilespmem:$0x270] =	vst v55  }
0x4a: {  	[tilespmem:s23], [sflag:$0x1] =	stream.indirect.gather [hbm4b:s5+s20], $0x80, s4, s20, $0xb8;
	[tilespmem:$0x1C300] =	vst v63  }
0x4b: {  	p1 =	seq.s32 s6, $0x4E0;
	_ =	swait.ge [sflag:s24], $0x4000  }
0x4c: {  	s8 =	sshrl.u32 @!p1 s16, $0x3;
	[sflag:s24] =	ssyncset.done $0x0  }
0x4d: {  	s9 =	simm.s32 @!p1 $0x0;
	s8 =	sadd.s32 @!p1 s1, s8;
	[sflag:s24] =	ssyncadd.s32 $0xFFFFC000  }
0x4e: {  	[tilespmem:s9], [sflag:$0x2] =	stream.linear.gather @!p1 [hbm4b:s8+s9], $0x80, $0x38;
	[tilespmem:$0x1C300] =	vst v63  }
0x4f: {  	s8 =	sadd.s32 @!p1 s6, s14  }
0x50: {  	s10 =	simm.s32 @!p1 $0x100;
	s8 =	sadd.s32 @!p1 $0x20, s8  }
0x51: {  	[tilespmem:s10], [sflag:$0x2] =	stream.linear.gather @!p1 [hbm4b:s8+s9], $0x80, $0x38;
	[tilespmem:$0x1C300] =	vst v63  }
0x52: {  	_ = 	snop  }
0x53: {  	[spmem:s3] =	stream.indirect.scatter.add.f32 [tilespmem:s23], [sflag:$0x4], $0x80, s25, s20, $0xb8;
	[tilespmem:$0x1C300] =	vst v63  }
0x54: {  	_ =	swait.ge [sflag:s26], $0x80  }
0x55: {  	[sflag:s26] =	ssyncset.done $0x0  }
0x56: {  	[sflag:s26] =	ssyncadd.s32 $0xFFFFFF80  }
0x57: {  	_ =	swait.ge [sflag:s26], $0x80  }
0x58: {  	[sflag:s26] =	ssyncset.done $0x0  }
0x59: {  	s8 =	simm.s32 @!p0 $0x5;
	[sflag:s26] =	ssyncadd.s32 $0xFFFFFF80  }
0x5a: {  	_ =	swait.ge @!p0 [sflag:s8], $0x4000  }
0x5b: {  	[sflag:s8] =	ssyncset.done @!p0 $0x0  }
0x5c: {  	[sflag:s8] =	ssyncadd.s32 @!p0 $0xFFFFC000  }
0x5d: {  	v56 =	vld [tilespmem:$0x180]  }
0x5e: {  	v57 =	vld [tilespmem:$0x190]  }
0x5f: {  	v58 =	vld [tilespmem:$0x1A0]  }
0x60: {  	v59 =	vld [tilespmem:$0x1B0]  }
0x61: {  	v60 =	vld [tilespmem:$0x1C0]  }
0x62: {  	v61 =	vld [tilespmem:$0x1D0];
	[tilespmem:$0x280] =	vst v56  }
0x63: {  	v62 =	vld [tilespmem:$0x1E0];
	[tilespmem:$0x290] =	vst v57  }
0x64: {  	v63 =	vld [tilespmem:$0x1F0];
	[tilespmem:$0x2A0] =	vst v58  }
0x65: {  	[tilespmem:$0x2B0] =	vst v59  }
0x66: {  	[tilespmem:$0x2C0] =	vst v60  }
0x67: {  	[tilespmem:$0x2D0] =	vst v61  }
0x68: {  	[tilespmem:$0x2E0] =	vst v62  }
.Ltmp2:
0x69: {  	[tilespmem:$0x2F0] =	vst v63;
	(pc) =	sbr.rel @p1 .LBB2_4-.Ltmp2, $4  }
0x6a: {  	[tilespmem:s28], [sflag:$0x1] =	stream.indirect.gather [hbm4b:s5+s20], $0x80, s20, s20, $0xb8;
	[tilespmem:$0x1C300] =	vst v63  }
0x6b: {  	_ =	swait.ge [sflag:s24], $0x4000  }
0x6c: {  	[sflag:s24] =	ssyncset.done $0x0  }
0x6d: {  	[sflag:s24] =	ssyncadd.s32 $0xFFFFC000  }
0x6e: {  	[tilespmem:s20], [sflag:$0x3] =	stream.linear.gather [hbm4b:s15+s4], $0x80, $0x38;
	[tilespmem:$0x1C300] =	vst v63  }
.Ltmp3:
0x6f: {  	s8 =	sadd.s32 s6, s14;
	(pc) =	sbr.rel .LBB2_2-.Ltmp3, $4  }
0x70: {  	s8 =	sadd.s32 $0x30, s8  }
0x71: {  	[tilespmem:s21], [sflag:$0x3] =	stream.linear.gather [hbm4b:s8+s4], $0x80, $0x38;
	[tilespmem:$0x1C300] =	vst v63  }
0x72: {  	s6 =	sadd.s32 $0x20, s6;
	s15 =	sadd.s32 $0x40, s15;
	s16 =	sadd.s32 $0x200, s16  }
0x73: {  	[spmem:s3] =	stream.indirect.scatter.add.f32 [tilespmem:s28], [sflag:$0x5], $0x80, s29, s20, $0xb8;
	[tilespmem:$0x1C300] =	vst v63  }
.LBB2_5:
0x74: {  	_ =	sfence.sel $0x180000  }
0x75: {  	[bflag:$0x0] =	sbarrier.arrive $0xFFFF  }
0x76: {  	_ =	strace $0x9000004D  }
0x77: {  	s0 =	stileid.u32;
	[bflag:$0x2] =	sbarrier.arrive $0xFFFF  }
0x78: {  	p0 =	sne.s32 s0, $0x0;
	s0 =	rddreg [dreg:$0x4]  }
0x79: {  	s0 =	sadd.s32 @!p0 $0x100000, s0  }
0x7a: {  	[sflag:s0] =	ssyncadd.tile.s32 @!p0 $0x1;
	_ =	shalt  }
.Lfunc_end2:
_tile_overlayer_lowered:
.L_overlay_start_2:
0x7b: {  	(tag) =	ssettag $0x2  }
0x7c: {  	s0 =	rddreg [dreg:$0x0];
	s2 =	stileid.u32  }
0x7d: {  	s1 =	rddreg [dreg:$0x1];
	p0 =	sne.s32 s2, $0x0  }
0x7e: {  	s3 =	rddreg [dreg:$0x2];
	[bflag:$0x3] =	sbarrier.arrive $0xFFFF;
	s2 =	simm.s32 @!p0 $0x1C06  }
0x7f: {  	[timem:s3], [sflag:s2] =	dma.local @!p0 [hbm:s0], s1  }
0x80: {  	s0 =	simm.s32 @!p0 $0x6  }
0x81: {  	_ =	swait.ge @!p0 [sflag:s0], s1  }
0x82: {  	s1 =	ssub.s32 @!p0 $0x0, s1;
	[sflag:s0] =	ssyncset.done @!p0 $0x0  }
0x83: {  	[sflag:s0] =	ssyncadd.s32 @!p0 s1  }
0x84: {  	[bflag:$0x3] =	sbarrier.arrive $0xFFFF  }
0x85: {  	_ =	shalt  }

// kernel: kernel.8.cloned.1.call-start
scs
__scs_entry_jumppad:
0x0: {  	(pc) =	sbr.rel $0x88, $3  }
0x1: {  	(tag) =	ssettag $0x0;
	lr =	simm.s32 $0x1  }
0x2: {  	[smem:$0x3F99] =	sst lr;
	_ =	strace $0xD0000000  }
0x3: {  	_ = 	snop  }
0x4: {  	_ = 	snop  }
0x5: {  	_ = 	snop  }
0x6: {  	_ = 	snop  }
0x7: {  	_ = 	snop  }
__scs_overlays_trampoline_lowered:
0x8: {  	[smem:$0x3FA8] =	sst s0  }
0x9: {  	[smem:$0x3FA9] =	sst s1  }
0xa: {  	[smem:$0x3FAA] =	sst s2  }
0xb: {  	[smem:$0x3FAB] =	sst s3  }
0xc: {  	[smem:$0x3FAC] =	sst s4  }
0xd: {  	[smem:$0x3FAD] =	sst s5  }
0xe: {  	[smem:$0x3FAE] =	sst s6  }
0xf: {  	[smem:$0x3FAF] =	sst s7  }
0x10: {  	[smem:$0x3FB0] =	sst s8  }
0x11: {  	[smem:$0x3FB1] =	sst s9;
	s0 =	simm.s32 @!p0 $0x0  }
0x12: {  	s1 =	sld [smem:$0x3F97];
	s0 =	simm.s32 @p0 $0x1  }
0x13: {  	[smem:$0x3FB2] =	sst s0;
	s0 =	simm.s32 @!p1 $0x0  }
0x14: {  	s2 =	sld [smem:$0x3F96];
	s0 =	simm.s32 @p1 $0x1  }
0x15: {  	[smem:$0x3FB3] =	sst s0;
	s0 =	simm.s32 @!p2 $0x0  }
0x16: {  	s3 =	sld [smem:$0x3FDB];
	s0 =	simm.s32 @p2 $0x1  }
0x17: {  	s4 =	simm.s32 $0x1BF5;
	[smem:$0x3FB5] =	sst s0  }
0x18: {  	s0 =	sld [smem:$0x3F98];
	_ =	swait.ge [sflag:s4], $0x0  }
0x19: {  	s7 =	sld [smem:$0x3F99]  }
0x1a: {  	s8 =	sadd.s32 $0xFFFFE003, lr  }
0x1b: {  	s9 =	sadd.s32 $0xFFFFFEF7, lr;
	s5 =	simm.s32 $0xFFFFFFFF;
	p2 =	slt.u32 s8, $0xFFFFF086  }
0x1c: {  	p1 =	slt.u32 s9, $0xF7A;
	s5 =	simm.s32 @!p2 $0x0  }
0x1d: {  	s5 =	simm.s32 @p1 $0x1;
	p0 =	seq.s32 s7, s2  }
0x1e: {  	s7 =	smul.u32 @!p0 $0xF7A, s2;
	p2 =	seq.s32 @!p0 s5, $0x0  }
0x1f: {  	s9 =	smul.u32 $0xF7A, s1;
	s8 =	simm.s32 @!p0 $0x1BF5;
	p2 =	por !p2, p0  }
0x20: {  	[sflag:s8] =	ssyncset.s32 @!p0 $0xFFFFF086;
	s6 =	sadd.s32 @!p0 s3, s7;
	s7 =	simm.s32 @!p0 $0x108  }
0x21: {  	s3 =	sadd.s32 s3, s9;
	s6 =	sadd.s32 @!p0 $0x88, s6;
	s7 =	simm.s32 @p2 $0x1082  }
0x22: {  	[simem:s7], [sflag:s8] =	dma.local @!p0 [hbm:s6], $0xF7A  }
0x23: {  	s9 =	sor.u32 $0xD0000000, s2;
	s6 =	simm.s32 $0x108;
	_ =	swait.ge @!p0 [sflag:s8], $0x0  }
0x24: {  	s3 =	sadd.s32 $0x88, s3;
	s6 =	simm.s32 @!p1 $0x1082;
	[sflag:s4] =	ssyncset.s32 $0xFFFFF086  }
0x25: {  	[simem:s6], [sflag:s4] =	dma.local [hbm:s3], $0xF7A  }
0x26: {  	[smem:$0x3F99] =	sst s1;
	(tag) =	ssettag s2;
	_ =	strace s9  }
0x27: {  	s1 =	sld [smem:$0x3FA9]  }
0x28: {  	s2 =	sld [smem:$0x3FAA]  }
0x29: {  	s4 =	sld [smem:$0x3FAC]  }
0x2a: {  	p0 =	seq.s32 s5, $0x0;
	s5 =	sld [smem:$0x3FAD]  }
0x2b: {  	s6 =	sld [smem:$0x3FAE]  }
0x2c: {  	s7 =	sld [smem:$0x3FAF]  }
0x2d: {  	s3 =	simm.s32 $0x108;
	s8 =	sld [smem:$0x3FB0]  }
0x2e: {  	s3 =	simm.s32 @!p0 $0x1082;
	s9 =	sld [smem:$0x3FB1]  }
0x2f: {  	lr =	sadd.s32 s0, s3;
	s0 =	sld [smem:$0x3FA8]  }
0x30: {  	s3 =	sld [smem:$0x3FAB]  }
0x31: {  	[smem:$0x3FB4] =	sst s10  }
0x32: {  	s10 =	sld [smem:$0x3FB2];
	_ =	sdelay $0x3  }
0x33: {  	p0 =	seq.s32 s10, $0x1;
	s10 =	sld [smem:$0x3FB4];
	_ =	sdelay $0x3  }
0x34: {  	[smem:$0x3FB4] =	sst s10  }
0x35: {  	s10 =	sld [smem:$0x3FB3];
	_ =	sdelay $0x3  }
0x36: {  	p1 =	seq.s32 s10, $0x1;
	s10 =	sld [smem:$0x3FB4];
	_ =	sdelay $0x3  }
0x37: {  	[smem:$0x3FB4] =	sst s10  }
0x38: {  	s10 =	sld [smem:$0x3FB5]  }
0x39: {  	_ = 	snop;
	(pc) =	sbr.ind lr, $3  }
0x3a: {  	_ = 	snop  }
0x3b: {  	_ = 	snop  }
0x3c: {  	p2 =	seq.s32 s10, $0x1;
	s10 =	sld [smem:$0x3FB4]  }
0x3d: {  	_ =	shalt  }
0x3e: {  	_ =	shalt  }
0x3f: {  	_ =	shalt  }
0x40: {  	_ =	shalt  }
0x41: {  	_ =	shalt  }
0x42: {  	_ =	shalt  }
0x43: {  	_ =	shalt  }
0x44: {  	_ =	shalt  }
0x45: {  	_ =	shalt  }
0x46: {  	_ =	shalt  }
0x47: {  	_ =	shalt  }
0x48: {  	_ =	shalt  }
0x49: {  	_ =	shalt  }
0x4a: {  	_ =	shalt  }
0x4b: {  	_ =	shalt  }
0x4c: {  	_ =	shalt  }
0x4d: {  	_ =	shalt  }
0x4e: {  	_ =	shalt  }
0x4f: {  	_ =	shalt  }
0x50: {  	_ =	shalt  }
0x51: {  	_ =	shalt  }
0x52: {  	_ =	shalt  }
0x53: {  	_ =	shalt  }
0x54: {  	_ =	shalt  }
0x55: {  	_ =	shalt  }
0x56: {  	_ =	shalt  }
0x57: {  	_ =	shalt  }
0x58: {  	_ =	shalt  }
0x59: {  	_ =	shalt  }
0x5a: {  	_ =	shalt  }
0x5b: {  	_ =	shalt  }
0x5c: {  	_ =	shalt  }
0x5d: {  	_ =	shalt  }
0x5e: {  	_ =	shalt  }
0x5f: {  	_ =	shalt  }
0x60: {  	_ =	shalt  }
0x61: {  	_ =	shalt  }
0x62: {  	_ =	shalt  }
0x63: {  	_ =	shalt  }
0x64: {  	_ =	shalt  }
0x65: {  	_ =	shalt  }
0x66: {  	_ =	shalt  }
0x67: {  	_ =	shalt  }
0x68: {  	_ =	shalt  }
0x69: {  	_ =	shalt  }
0x6a: {  	_ =	shalt  }
0x6b: {  	_ =	shalt  }
0x6c: {  	_ =	shalt  }
0x6d: {  	_ =	shalt  }
0x6e: {  	_ =	shalt  }
0x6f: {  	_ =	shalt  }
0x70: {  	_ =	shalt  }
0x71: {  	_ =	shalt  }
0x72: {  	_ =	shalt  }
0x73: {  	_ =	shalt  }
0x74: {  	_ =	shalt  }
0x75: {  	_ =	shalt  }
0x76: {  	_ =	shalt  }
0x77: {  	_ =	shalt  }
0x78: {  	_ =	shalt  }
0x79: {  	_ =	shalt  }
0x7a: {  	_ =	shalt  }
0x7b: {  	_ =	shalt  }
0x7c: {  	_ =	shalt  }
0x7d: {  	_ =	shalt  }
0x7e: {  	_ =	shalt  }
0x7f: {  	_ =	shalt  }
0x80: {  	_ =	shalt  }
0x81: {  	_ =	shalt  }
0x82: {  	_ =	shalt  }
0x83: {  	_ =	shalt  }
0x84: {  	_ =	shalt  }
0x85: {  	_ =	shalt  }
0x86: {  	_ =	shalt  }
0x87: {  	_ =	shalt  }
.Lfunc_end0:
.L_simem_size_0:
called_computation_lowered:
.L_overlay_start_0:
0x88: {  	s2 =	sld [smem:$0x3FD9]  }
0x89: {  	s3 =	sld [smem:$0x3FFE];
	_ =	sdelay $0x1  }
0x8a: {  	s1 =	srdreg.scid  }
0x8b: {  	s0 =	sand.u32 $0x1, s1  }
0x8c: {  	s14 =	sshll.u32 s0, $0xA;
	s2 =	sadd.s32 s3, s2  }
0x8d: {  	s2 =	sadd.s32 s2, s14  }
0x8e: {  	[smem:$0x3FC0] =	sst s2  }
0x8f: {  	_ = 	snop  }
0x90: {  	s2 =	sld [smem:$0x3FD0];
	_ =	sdelay $0x2  }
0x91: {  	s15 =	simm.s32 $0xA;
	s4 =	simm.s32 $0x10  }
0x92: {  	[smem:s4], [sflag:s15] =	dma.local [hbm:s2], $0x1  }
0x93: {  	_ =	swait.eq [sflag:s15], $0x1  }
0x94: {  	[sflag:s15] =	ssyncset.done $0x0  }
0x95: {  	[sflag:s15] =	ssyncadd.s32 $0xFFFFFFFF  }
0x96: {  	s16 =	sld [smem:$0x10];
	(tm) =	ssettm $0x1  }
0x97: {  	s17 =	sld [smem:$0x3FFB];
	_ =	sdelay $0x3  }
0x98: {  	_ =	strace s17  }
0x99: {  	s3 =	sld [smem:$0x3FFC];
	_ =	sdelay $0x3  }
0x9a: {  	_ =	strace s3  }
0x9b: {  	s3 =	sld [smem:$0x3FFD];
	_ =	sdelay $0x3  }
0x9c: {  	_ =	strace s3  }
0x9d: {  	_ =	strace $0x8FFFFFFF  }
0x9e: {  	s18 =	sld [smem:$0x3FDB];
	_ =	sdelay $0x1  }
0x9f: {  	s19 =	simm.s32 $_scs_section_size  }
0xa0: {  	s5 =	simm.s32 $_size__tile_overlayer_lowered;
	s6 =	simm.s32 $_tile_overlayer_lowered  }
0xa1: {  	s22 =	simm.s32 $0x1BFF;
	s21 =	sshll.u32 s6, $0x1;
	s3 =	sadd.s32 s19, s18  }
0xa2: {  	s7 =	simm.s32 $0x0;
	s20 =	sshll.u32 s5, $0x1;
	s5 =	sadd.s32 s21, s3  }
0xa3: {  	[timem:s7], [sflag:s22] =	dma.local [hbm:s5], s20  }
0xa4: {  	_ =	swait.ge [sflag:s22], s20  }
0xa5: {  	s4 =	ssub.s32 $0x0, s20;
	[sflag:s22] =	ssyncset.done $0x0  }
0xa6: {  	[sflag:s22] =	ssyncadd.s32 s4;
	_ =	sdelay $0x1  }
0xa7: {  	s23 =	simm.s32 $0x1B8B  }
0xa8: {  	_ =	swait.ge [sflag:s23], $0x1  }
0xa9: {  	[sflag:s23] =	ssyncset.done $0x0  }
0xaa: {  	s25 =	simm.s32 $0x1B8E;
	s24 =	sld [smem:$0x3FFE];
	[sflag:s23] =	ssyncadd.s32 $0xFFFFFFFF  }
0xab: {  	s26 =	simm.s32 $execute0_lowered;
	[smem:$0x3FD2] =	sst s25  }
0xac: {  	s5 =	sshll.u32 s26, $0x1;
	_ =	strace $0x80000046;
	[dreg:$0x1] =	wrdreg $0xFFFFFFFF  }
0xad: {  	s28 =	simm.s32 $_size_execute0_lowered;
	s3 =	sadd.s32 s3, s5;
	[dreg:$0x0] =	wrdreg $0x0  }
0xae: {  	s5 =	sshll.u32 s28, $0x1;
	[dreg:$0x2] =	wrdreg s3  }
0xaf: {  	[dreg:$0x3] =	wrdreg s5  }
0xb0: {  	[dreg:$0x4] =	wrdreg $0xC0  }
0xb1: {  	_ =	task [dreg:s7], $0x5FFFF  }
0xb2: {  	[dreg:$0x1] =	wrdreg $0xFFFFFFFF  }
0xb3: {  	[dreg:$0x0] =	wrdreg $0x60  }
0xb4: {  	[dreg:$0x2] =	wrdreg s16  }
0xb5: {  	[dreg:$0x3] =	wrdreg s24  }
0xb6: {  	[dreg:$0x4] =	wrdreg $0x66800  }
0xb7: {  	[dreg:$0x5] =	wrdreg $0x9  }
0xb8: {  	_ =	task.clear_ibuf [dreg:s7], $0x6FFFF;
	_ =	strace $0x90000046  }
0xb9: {  	s29 =	simm.s32 $0x9;
	_ =	strace $0x80000048  }
0xba: {  	_ =	swait.ge [sflag:s29], $0x1  }
0xbb: {  	[sflag:s29] =	ssyncadd.s32 $0xFFFFFFFF  }
0xbc: {  	_ =	strace $0x90000048  }
0xbd: {  	_ =	sfence  }
0xbe: {  	s30 =	sld [smem:$0x0];
	_ =	sdelay $0x2  }
0xbf: {  	s31 =	sshll.u32 s1, $0xD;
	s1 =	sshrl.u32 s1, $0x2  }
0xc0: {  	s3 =	sand.u32 $0x4000, s31;
	s1 =	sadd.s32 s1, s30  }
0xc1: {  	s0 =	sor.u32 s3, s0;
	s1 =	sshll.u32 s1, $0x11  }
0xc2: {  	s0 =	sor.u32 s1, s0  }
0xc3: {  	s0 =	sadd.s32 $0x8F2B, s0  }
0xc4: {  	[sflag:s0] =	ssyncadd.remote.s32 $0x1  }
0xc5: {  	_ =	sfence.sel $0xFFFF  }
0xc6: {  	[dreg:$0x0] =	wrdreg $0xFFFFFFFF;
	(pc) =	sbr.abs _section_cstart, $3  }
0xc7: {  	[dreg:$0x1] =	wrdreg $0xFFFFFFFF  }
0xc8: {  	_ =	task.clear_ibuf [dreg:s7], $0x2FFFF;
	_ =	strace $0x9FFFFFFF  }
0xc9: {  	(tm) =	ssettm $0x7FFFFFFF  }
tec
execute0_lowered:
.L_overlay_start_1:
0x0: {  	(tag) =	ssettag $0x1  }
0x1: {  	s3 =	rddreg [dreg:$0x0]  }
0x2: {  	s4 =	rddreg [dreg:$0x1]  }
0x3: {  	s5 =	rddreg [dreg:$0x2]  }
0x4: {  	s0 =	rddreg [dreg:$0x3]  }
0x5: {  	s6 =	srdreg.scid;
	s1 =	stileid.u32  }
0x6: {  	s2 =	simm.s32 $0x0;
	s11 =	simm.s32 $0x400;
	s12 =	simm.s32 $0x14000  }
0x7: {  	s13 =	simm.s32 $0x3C00;
	s14 =	simm.s32 $0x100;
	s15 =	simm.s32 $0x6400  }
0x8: {  	s6 =	sand.u32 $0x1, s6;
	s7 =	smul.u32 $0x500, s1;
	[smem:$0x7FF] =	sst s2  }
0x9: {  	s26 =	sshrl.u32 s1, $0x3;
	s28 =	smul.u32 $0x5000, s1;
	s29 =	sshll.u32 s1, $0x7  }
0xa: {  	s8 =	sshll.u32 s6, $0x7;
	s9 =	sshll.u32 s6, $0x4;
	_ =	strace $0x80000047  }
0xb: {  	s6 =	ssub.s32 $0x2, s6;
	s7 =	sor.u32 s8, s7;
	s25 =	sor.u32 s1, s9  }
0xc: {  	s10 =	sshrl.u32 s6, $0x1;
	s9 =	smul.u32 $0x50000, s26;
	s31 =	sshrl.u32 s28, $0x2  }
0xd: {  	s8 =	smul.u32 $0x280, s25;
	s7 =	sshrl.u32 s7, $0x3;
	s10 =	ssub.s32 s6, s10  }
0xe: {  	s6 =	sand.u32 $0x380, s29;
	s7 =	sadd.s32 s7, s4;
	s30 =	sshrl.u32 s9, $0x2  }
0xf: {  	s9 =	simm.s32 $0x1400;
	s3 =	sadd.s32 s3, s8;
	s8 =	sadd.s32 s30, s5  }
0x10: {  	s5 =	sadd.s32 s31, s5;
	s4 =	sadd.s32 s6, s8;
	s6 =	sadd.s32 $0x1E00, s7  }
0x11: {  	v0 =	vimm.f32 $0.0e+00;
	v1 =	vimm.f32 $1.000000000e+00;
	s7 =	smax.u32 s10, $0x1;
	s8 =	simm.s32 $0x1;
	s10 =	simm.s32 $0x80  }
.LBB2_1:
0x12: {  	s16 =	simm.s32 $0x40;
	s17 =	simm.s32 $0x0  }
.LBB2_2:
0x13: {  	p0 =	sne.s32 s16, $0x9FC0;
	[tilespmem:s17+$0x1400] =	vst v0;
	s17 =	smov.u32 s16;
	s16 =	sadd.s32 $0x40, s16  }
.Ltmp0:
0x14: {  	(pc) =	sbr.rel @p0 .LBB2_2-.Ltmp0, $2  }
0x15: {  	_ =	sdelay $0x2  }
0x16: {  	s17 =	sshra.s32 s17, $0x2  }
0x17: {  	[tilespmem:s17+$0x1400] =	vst v0;
	s16 =	simm.s32 $0x0  }
0x18: {  	[tilespmem:s16], [sflag:$0x1] =	stream.linear.gather [hbm4b:s3+s16], $0x1400, $0x38;
	[tilespmem:$0x8E80] =	vst v63  }
0x19: {  	_ =	swait.ge [sflag:s8], $0x1400  }
0x1a: {  	[sflag:s8] =	ssyncset.done $0x0  }
0x1b: {  	s17 =	simm.s32 $0x0;
	s16 =	simm.s32 $0x40;
	[sflag:s8] =	ssyncadd.s32 $0xFFFFEC00  }
.LBB2_4:
0x1c: {  	p0 =	sne.s32 s16, $0x4FC0;
	v2 =	vld [tilespmem:s17+$0x0];
	_ =	sdelay $0x3  }
.Ltmp1:
0x1d: {  	(pc) =	sbr.rel @p0 .LBB2_4-.Ltmp1, $2  }
0x1e: {  	_ =	sdelay $0x2  }
0x1f: {  	s17 =	sshra.s32 s16, $0x2;
	s16 =	sadd.s32 $0x40, s16;
	[tilespmem:v2+s9+$0x0] =	vst.idx.add.f32.msk $0xffff, v1  }
0x20: {  	v2 =	vld [tilespmem:s17+$0x0];
	_ =	sdelay $0x7  }
0x21: {  	[tilespmem:v2+s9+$0x0] =	vst.idx.add.f32.msk $0xffff, v1  }
0x22: {  	[spmem:s4] =	stream.strided.scatter [tilespmem:s9], [sflag:$0x1], $0x2800, s11, s10, $0x38;
	[tilespmem:$0x8E80] =	vst v63  }
0x23: {  	_ =	swait.ge [sflag:s8], $0x2800  }
0x24: {  	[sflag:s8] =	ssyncset.done $0x0  }
0x25: {  	[sflag:s8] =	ssyncadd.s32 $0xFFFFD800  }
0x26: {  	[bflag:$0x0] =	sbarrier.arrive $0xFFFF  }
0x27: {  	[tilespmem:s13], [sflag:$0x1] =	stream.strided.gather [spmem:s5], $0x2800, s12, s9, $0x38;
	[tilespmem:$0x8E80] =	vst v63  }
0x28: {  	s16 =	simm.s32 $0x0;
	_ =	swait.ge [sflag:s8], $0x2800  }
0x29: {  	s30 =	sand.u32 $0x70, s16;
	s16 =	sand.u32 $0x1C00, s16;
	[sflag:s8] =	ssyncset.done $0x0  }
0x2a: {  	s16 =	sor.u32 s30, s16;
	[sflag:s8] =	ssyncadd.s32 $0xFFFFD800  }
0x2b: {  	v2 =	vld [tilespmem:s16+$0x3C80]  }
0x2c: {  	v3 =	vld [tilespmem:s16+$0x3C00];
	_ =	sdelay $0x1  }
0x2d: {  	v4 =	vld [tilespmem:s16+$0x3D00];
	_ =	sdelay $0x1  }
0x2e: {  	v5 =	vld [tilespmem:s16+$0x3D80]  }
0x2f: {  	v2 =	vadd.f32 v2, v3  }
0x30: {  	v3 =	vld [tilespmem:s16+$0x3E00]  }
0x31: {  	v2 =	vadd.f32 v4, v2  }
0x32: {  	v56 =	vld [tilespmem:s16+$0x3E80]  }
0x33: {  	v2 =	vadd.f32 v5, v2  }
0x34: {  	v57 =	vld [tilespmem:s16+$0x3F00]  }
0x35: {  	v2 =	vadd.f32 v3, v2  }
0x36: {  	v3 =	vld [tilespmem:s16+$0x3F80]  }
0x37: {  	v2 =	vadd.f32 v56, v2  }
0x38: {  	v58 =	vld [tilespmem:s16+$0x5000]  }
0x39: {  	v2 =	vadd.f32 v57, v2  }
0x3a: {  	v59 =	vld [tilespmem:s16+$0x5080]  }
0x3b: {  	v2 =	vadd.f32 v3, v2  }
0x3c: {  	v3 =	vld [tilespmem:s16+$0x5100]  }
0x3d: {  	v2 =	vadd.f32 v58, v2  }
0x3e: {  	v60 =	vld [tilespmem:s16+$0x5180]  }
0x3f: {  	v2 =	vadd.f32 v59, v2  }
0x40: {  	v61 =	vld [tilespmem:s16+$0x5200]  }
0x41: {  	v2 =	vadd.f32 v3, v2  }
0x42: {  	v3 =	vld [tilespmem:s16+$0x5280]  }
0x43: {  	v2 =	vadd.f32 v60, v2  }
0x44: {  	v62 =	vld [tilespmem:s16+$0x5300]  }
0x45: {  	v2 =	vadd.f32 v61, v2  }
0x46: {  	v63 =	vld [tilespmem:s16+$0x5380]  }
0x47: {  	v2 =	vadd.f32 v3, v2;
	_ =	sdelay $0x1  }
0x48: {  	v2 =	vadd.f32 v62, v2;
	_ =	sdelay $0x1  }
0x49: {  	s31 =	simm.s32 $0x10;
	s18 =	simm.s32 $0x80;
	v2 =	vadd.f32 v63, v2  }
0x4a: {  	s17 =	sand.u32 $0x70, s31;
	s19 =	sand.u32 $0x1C00, s18;
	s16 =	simm.s32 $0x6400  }
0x4b: {  	s17 =	sor.u32 s17, s19;
	s19 =	simm.s32 $0x20;
	[tilespmem:s16+$0x0] =	vst v2  }
.LBB2_6:
0x4c: {  	p0 =	sne.s32 s19, $0x270;
	v2 =	vld [tilespmem:s17+$0x3C80]  }
0x4d: {  	v3 =	vld [tilespmem:s17+$0x3C00];
	_ =	sdelay $0x1  }
0x4e: {  	v4 =	vld [tilespmem:s17+$0x3D00];
	_ =	sdelay $0x1  }
0x4f: {  	v5 =	vld [tilespmem:s17+$0x3D80]  }
0x50: {  	v2 =	vadd.f32 v2, v3  }
0x51: {  	v3 =	vld [tilespmem:s17+$0x3E00]  }
0x52: {  	v2 =	vadd.f32 v4, v2  }
0x53: {  	v4 =	vld [tilespmem:s17+$0x3E80]  }
0x54: {  	v2 =	vadd.f32 v5, v2  }
0x55: {  	v5 =	vld [tilespmem:s17+$0x3F00]  }
0x56: {  	v2 =	vadd.f32 v3, v2  }
0x57: {  	v3 =	vld [tilespmem:s17+$0x3F80]  }
0x58: {  	v2 =	vadd.f32 v4, v2  }
0x59: {  	v4 =	vld [tilespmem:s17+$0x5000]  }
0x5a: {  	v2 =	vadd.f32 v5, v2  }
0x5b: {  	v5 =	vld [tilespmem:s17+$0x5080]  }
0x5c: {  	v2 =	vadd.f32 v3, v2  }
0x5d: {  	v3 =	vld [tilespmem:s17+$0x5100]  }
0x5e: {  	v2 =	vadd.f32 v4, v2  }
0x5f: {  	v4 =	vld [tilespmem:s17+$0x5180]  }
0x60: {  	v2 =	vadd.f32 v5, v2  }
0x61: {  	v5 =	vld [tilespmem:s17+$0x5200]  }
0x62: {  	v2 =	vadd.f32 v3, v2  }
0x63: {  	v3 =	vld [tilespmem:s17+$0x5280]  }
0x64: {  	v2 =	vadd.f32 v4, v2  }
0x65: {  	v4 =	vld [tilespmem:s17+$0x5300]  }
0x66: {  	v2 =	vadd.f32 v5, v2  }
0x67: {  	v5 =	vld [tilespmem:s17+$0x5380]  }
0x68: {  	v2 =	vadd.f32 v3, v2;
	_ =	sdelay $0x1  }
.Ltmp2:
0x69: {  	v2 =	vadd.f32 v4, v2;
	(pc) =	sbr.rel @p0 .LBB2_6-.Ltmp2, $4  }
0x6a: {  	_ = 	snop  }
0x6b: {  	s18 =	sadd.s32 $0x80, s18;
	v2 =	vadd.f32 v5, v2  }
0x6c: {  	s16 =	sadd.s32 $0x10, s16;
	s20 =	sand.u32 $0x1C00, s18;
	s17 =	sand.u32 $0x70, s19  }
0x6d: {  	s19 =	sadd.s32 $0x10, s19;
	s17 =	sor.u32 s17, s20;
	[tilespmem:s16+$0x0] =	vst v2  }
0x6e: {  	v2 =	vld [tilespmem:s17+$0x3C80]  }
0x6f: {  	v3 =	vld [tilespmem:s17+$0x3C00];
	_ =	sdelay $0x1  }
0x70: {  	v4 =	vld [tilespmem:s17+$0x3D00];
	_ =	sdelay $0x1  }
0x71: {  	v5 =	vld [tilespmem:s17+$0x3D80]  }
0x72: {  	v2 =	vadd.f32 v2, v3  }
0x73: {  	v3 =	vld [tilespmem:s17+$0x3E00]  }
0x74: {  	v2 =	vadd.f32 v4, v2  }
0x75: {  	v56 =	vld [tilespmem:s17+$0x3E80]  }
0x76: {  	v2 =	vadd.f32 v5, v2  }
0x77: {  	v57 =	vld [tilespmem:s17+$0x3F00]  }
0x78: {  	v2 =	vadd.f32 v3, v2  }
0x79: {  	v3 =	vld [tilespmem:s17+$0x3F80]  }
0x7a: {  	v2 =	vadd.f32 v56, v2  }
0x7b: {  	v58 =	vld [tilespmem:s17+$0x5000]  }
0x7c: {  	v2 =	vadd.f32 v57, v2  }
0x7d: {  	v59 =	vld [tilespmem:s17+$0x5080]  }
0x7e: {  	v2 =	vadd.f32 v3, v2  }
0x7f: {  	v3 =	vld [tilespmem:s17+$0x5100]  }
0x80: {  	v2 =	vadd.f32 v58, v2  }
0x81: {  	v60 =	vld [tilespmem:s17+$0x5180]  }
0x82: {  	v2 =	vadd.f32 v59, v2  }
0x83: {  	v61 =	vld [tilespmem:s17+$0x5200]  }
0x84: {  	v2 =	vadd.f32 v3, v2  }
0x85: {  	v3 =	vld [tilespmem:s17+$0x5280]  }
0x86: {  	v2 =	vadd.f32 v60, v2  }
0x87: {  	v62 =	vld [tilespmem:s17+$0x5300]  }
0x88: {  	v2 =	vadd.f32 v61, v2  }
0x89: {  	v63 =	vld [tilespmem:s17+$0x5380]  }
0x8a: {  	v2 =	vadd.f32 v3, v2;
	_ =	sdelay $0x1  }
0x8b: {  	v2 =	vadd.f32 v62, v2;
	_ =	sdelay $0x1  }
0x8c: {  	s2 =	sadd.s32 $0x1, s2;
	v2 =	vadd.f32 v63, v2  }
0x8d: {  	s16 =	sadd.s32 $0x10, s16;
	p0 =	sne.s32 s2, s7  }
.Ltmp3:
0x8e: {  	[tilespmem:s16+$0x0] =	vst v2;
	(pc) =	sbr.rel @p0 .LBB2_1-.Ltmp3, $4  }
0x8f: {  	[hbm4b:s6+s10] =	stream.strided.scatter [tilespmem:s15], [sflag:$0x1], $0x280, s14, s10, $0x38;
	[tilespmem:$0x8E80] =	vst v63  }
0x90: {  	_ =	swait.ge [sflag:s8], $0x280  }
0x91: {  	[sflag:s8] =	ssyncset.done $0x0  }
0x92: {  	[sflag:s8] =	ssyncadd.s32 $0xFFFFFD80  }
0x93: {  	_ =	sfence.sel $0x180000  }
0x94: {  	[bflag:$0x0] =	sbarrier.arrive $0xFFFF  }
0x95: {  	p0 =	sne.s32 s1, $0x0;
	_ =	strace $0x90000047  }
0x96: {  	s0 =	sadd.s32 @!p0 $0x100000, s0;
	[bflag:$0x2] =	sbarrier.arrive $0xFFFF  }
0x97: {  	[sflag:s0] =	ssyncadd.tile.s32 @!p0 $0x1;
	_ =	shalt  }
.Lfunc_end2:
_tile_overlayer_lowered:
.L_overlay_start_2:
0x98: {  	(tag) =	ssettag $0x2  }
0x99: {  	s0 =	rddreg [dreg:$0x0];
	s2 =	stileid.u32  }
0x9a: {  	s1 =	rddreg [dreg:$0x1];
	p0 =	sne.s32 s2, $0x0  }
0x9b: {  	s3 =	rddreg [dreg:$0x2];
	[bflag:$0x3] =	sbarrier.arrive $0xFFFF;
	s2 =	simm.s32 @!p0 $0x1C01  }
0x9c: {  	[timem:s3], [sflag:s2] =	dma.local @!p0 [hbm:s0], s1  }
0x9d: {  	s0 =	simm.s32 @!p0 $0x1  }
0x9e: {  	_ =	swait.ge @!p0 [sflag:s0], s1  }
0x9f: {  	s1 =	ssub.s32 @!p0 $0x0, s1;
	[sflag:s0] =	ssyncset.done @!p0 $0x0  }
0xa0: {  	[sflag:s0] =	ssyncadd.s32 @!p0 s1  }
0xa1: {  	[bflag:$0x3] =	sbarrier.arrive $0xFFFF  }
0xa2: {  	_ =	shalt  }

</sc_bundles>
